<compile_context>
chip_gen: v7x
topology: tpu7x:2x2x1
jax: 0.10.2.dev20260603
libtpu: 0.0.44.dev20260713+nightly
codegen_flags: <defaults>
</compile_context>

<pallas_src>
import functools

import jax
import jax.numpy as jnp
from jax import lax
from jax.experimental import pallas as pl
from jax.experimental.pallas import tpu as pltpu
from jax.experimental.pallas import tpu_sc as plsc

B = 16384
N = 1000
NP = 1024
R = 64
NC = 2
NS = 16
NW = NC * NS
BPW = B // NW
CH = 128
NCH = BPW // CH
L = 16


def _mm_body(t0t_ref, t1_ref, g_ref):
    t0t = t0t_ref[...]
    for t in range(NP // 128):
        lo = t * 128
        hi = min(lo + 128, N)
        d = lax.dot_general(
            t0t, t1_ref[:, lo:hi],
            dimension_numbers=(((0,), (0,)), ((), ())),
            preferred_element_type=jnp.float32,
            precision=lax.Precision.DEFAULT,
        )
        if hi - lo < 128:
            d = jnp.pad(d, ((0, 0), (0, 128 - (hi - lo))))
        g_ref[t] = d


def _make_gather_kernel():
    mesh = plsc.VectorSubcoreMesh(core_axis_name="c", subcore_axis_name="s")

    @functools.partial(
        pl.kernel,
        mesh=mesh,
        out_type=jax.ShapeDtypeStruct((B,), jnp.float32),
        scratch_types=[
            pltpu.VMEM((2, BPW), jnp.int32),
            pltpu.VMEM((BPW,), jnp.int32),
            pltpu.VMEM((BPW,), jnp.float32),
            pltpu.SemaphoreType.DMA,
        ],
    )
    def k(idxt_hbm, g_hbm, out_hbm, i01_v, f_v, o_v, sem):
        wid = lax.axis_index("s") * NC + lax.axis_index("c")

        pltpu.sync_copy(idxt_hbm.at[:, pl.ds(wid * BPW, BPW)], i01_v)

        copies = []
        for c in range(NCH):
            for vi in range(CH // L):
                s = pl.ds(c * CH + vi * L, L)
                i = i01_v[0, s]
                j = i01_v[1, s]
                f_v[s] = (lax.shift_right_logical(j, 7) * (N * 128)
                          + i * 128 + lax.bitwise_and(j, 127))
            copies.append(
                pltpu.async_copy(g_hbm.at[f_v.at[pl.ds(c * CH, CH)]],
                                 o_v.at[pl.ds(c * CH, CH)], sem))
        for cp in copies:
            cp.wait()

        pltpu.sync_copy(o_v, out_hbm.at[pl.ds(wid * BPW, BPW)])

    return k


_gather_kernel = _make_gather_kernel()


def kernel(indices, C0, C1):
    idxt = jnp.transpose(indices.astype(jnp.int32))
    t0t = jnp.transpose(C0[0])

    g = pl.pallas_call(
        _mm_body,
        out_shape=jax.ShapeDtypeStruct((NP // 128, N, 128), jnp.float32),
    )(t0t, C1[:, :, 0])

    return _gather_kernel(idxt, g.reshape(NP * N))

# --- scband reference (transcript-rebuilt; emitter-appended) ---
"""Pipeline reference for scband-stable-ttlayer-3753801417457 (READ-ONLY COPY).

The authoritative reference and input builder live on the scoring server;
editing this copy changes nothing except your own understanding.
"""

import jax, jax.numpy as jnp
import numpy as np

DIMS = [1000, 1000]
RANKS = [1, 64, 1]
INIT_SCALE = 0.01
EPS = 1e-08
BATCH = 16384


def setup_inputs(seed: int = 0) -> dict:
    key = jax.random.key(seed)
    k1, k2, k3 = jax.random.split(key, 3)
    indices = jax.random.randint(k1, (BATCH, 2), 0, DIMS[0], dtype=jnp.int64) if jax.config.jax_enable_x64 else jax.random.randint(k1, (BATCH, 2), 0, DIMS[0], dtype=jnp.int32)
    # TT cores: core_i has shape (ranks[i], dims[i], ranks[i+1])
    C0 = jax.random.normal(k2, (RANKS[0], DIMS[0], RANKS[1]), dtype=jnp.float32) * INIT_SCALE
    C1 = jax.random.normal(k3, (RANKS[1], DIMS[1], RANKS[2]), dtype=jnp.float32) * INIT_SCALE
    return {"indices": indices, "C0": C0, "C1": C1}


def reference(indices, C0, C1):
    # clamp indices per-dimension (torch.clamp(indices, 0, dims-1))
    max_vals = jnp.array([d - 1 for d in DIMS], dtype=indices.dtype)
    idx = jnp.clip(indices, 0, max_vals)

    # i = 0: core [1, n0, r1] -> gather -> [1, B, r1] -> permute -> [B, 1, r1] -> squeeze(1)
    idx0 = idx[:, 0].astype(jnp.int32)
    s0 = jnp.take(C0, idx0, axis=1).transpose(1, 0, 2)  # [B, 1, r1]
    current = jnp.squeeze(s0, axis=1)  # [B, r1]

    # i = 1: core [r1, n1, 1] -> gather -> [B, r1, 1]
    idx1 = idx[:, 1].astype(jnp.int32)
    s1 = jnp.take(C1, idx1, axis=1).transpose(1, 0, 2)  # [B, r1, 1]
    norm = jnp.linalg.norm(current, axis=1, keepdims=True) + EPS  # [B, 1]
    normalized = current / norm
    current = jnp.squeeze(jnp.matmul(normalized[:, None, :], s1), axis=1)  # [B, 1]
    current = current * norm  # [B, 1]

    return jnp.squeeze(current, axis=-1)  # [B]

if __name__ == "__main__":
    import jax
    _d = setup_inputs()
    print(jax.jit(kernel)(*tuple(_d.values())))

</pallas_src>

<mosaic_0001>
#map = affine_map<(d0, d1) -> (0, 0)>
#map1 = affine_map<(d0, d1) -> (0)>
module attributes {stable_mosaic.version = 14 : i64} {
  func.func @k(%arg0: i32, %arg1: i32, %arg2: memref<2x16384xi32, #tpu.memory_space<hbm>>, %arg3: memref<1024000xf32, #tpu.memory_space<hbm>>, %arg4: memref<16384xf32, #tpu.memory_space<hbm>>, %arg5: memref<2x512xi32, #tpu.memory_space<vmem>>, %arg6: memref<512xi32, #tpu.memory_space<vmem>>, %arg7: memref<512xf32, #tpu.memory_space<vmem>>, %arg8: memref<!tpu.dma_semaphore, #tpu.memory_space<semaphore_mem>>) attributes {dimension_semantics = [#tpu.dimension_semantics<core_parallel>, #tpu.dimension_semantics<subcore_parallel>], iteration_bounds = array<i64: 2, 16>, scalar_prefetch = 0 : i64, scratch_operands = 4 : i64, tpu.core_type = #tpu.core_type<sc_vector_subcore>, window_params = [{transform_indices = #map}, {transform_indices = #map1}, {transform_indices = #map1}]} {
    %mul3A = arith.constant 2 : i32
    %mul3A_0 = arith.muli %arg1, %mul3A : i32
    %add3A = arith.addi %mul3A_0, %arg0 : i32
    %mul3A_1 = arith.constant 512 : i32
    %mul3A_2 = arith.muli %add3A, %mul3A_1 : i32
    "tpu.region"() ({
      %run_scoped3A = tpu.sem_alloc : memref<!tpu.dma_semaphore, #tpu.memory_space<semaphore_mem>>
      %dma_start3A_943 = arith.constant 0 : i32
      %dma_start3A_944 = tpu.memref_slice %arg2[%dma_start3A_943, %mul3A_2] : memref<2x16384xi32, #tpu.memory_space<hbm>> -> memref<2x512xi32, #tpu.memory_space<hbm>>
      %dma_start3A_945 = arith.constant 0 : i32
      %dma_start3A_946 = tpu.memref_slice %arg2[%dma_start3A_945, %mul3A_2] : memref<2x16384xi32, #tpu.memory_space<hbm>> -> memref<2x512xi32, #tpu.memory_space<hbm>>
      tpu.enqueue_dma source(%dma_start3A_946 : memref<2x512xi32, #tpu.memory_space<hbm>>) target(%arg5 : memref<2x512xi32, #tpu.memory_space<vmem>>) target_semaphore(%run_scoped3A : memref<!tpu.dma_semaphore, #tpu.memory_space<semaphore_mem>>)
      %dma_wait3A_947 = arith.constant 0 : i32
      %dma_wait3A_948 = tpu.memref_slice %arg2[%dma_wait3A_947, %mul3A_2] : memref<2x16384xi32, #tpu.memory_space<hbm>> -> memref<2x512xi32, #tpu.memory_space<hbm>>
      %dma_wait3A_949 = arith.constant 0 : i32
      %dma_wait3A_950 = tpu.memref_slice %arg2[%dma_wait3A_949, %mul3A_2] : memref<2x16384xi32, #tpu.memory_space<hbm>> -> memref<2x512xi32, #tpu.memory_space<hbm>>
      tpu.wait_dma2 semaphore(%run_scoped3A : memref<!tpu.dma_semaphore, #tpu.memory_space<semaphore_mem>>) src(%dma_wait3A_950 : memref<2x512xi32, #tpu.memory_space<hbm>>) dst(%arg5 : memref<2x512xi32, #tpu.memory_space<vmem>>)
      tpu.yield
    }) : () -> ()
    %get3A = arith.constant 0 : i32
    %get3A_3 = arith.index_cast %get3A : i32 to index
    %get3A_4 = arith.constant 0 : index
    %get3A_5 = tpu.vector_load %arg5[%get3A_3, %get3A_4] {strides = array<i32>} : memref<2x512xi32, #tpu.memory_space<vmem>>, vector<1x16xi32>,
    %get3A_6 = vector.shape_cast %get3A_5 : vector<1x16xi32> to vector<16xi32>
    %get3A_7 = arith.constant 1 : i32
    %get3A_8 = arith.index_cast %get3A_7 : i32 to index
    %get3A_9 = arith.constant 0 : index
    %get3A_10 = tpu.vector_load %arg5[%get3A_8, %get3A_9] {strides = array<i32>} : memref<2x512xi32, #tpu.memory_space<vmem>>, vector<1x16xi32>,
    %get3A_11 = vector.shape_cast %get3A_10 : vector<1x16xi32> to vector<16xi32>
    %shift_right_logical3A = arith.constant 7 : i32
    %shift_right_logical3A_12 = vector.broadcast %shift_right_logical3A : i32 to vector<16xi32>
    %shift_right_logical3A_13 = arith.shrui %get3A_11, %shift_right_logical3A_12 : vector<16xi32>
    %mul3A_14 = arith.constant 128000 : i32
    %mul3A_15 = vector.broadcast %mul3A_14 : i32 to vector<16xi32>
    %mul3A_16 = arith.muli %shift_right_logical3A_13, %mul3A_15 : vector<16xi32>
    %mul3A_17 = arith.constant 128 : i32
    %mul3A_18 = vector.broadcast %mul3A_17 : i32 to vector<16xi32>
    %mul3A_19 = arith.muli %get3A_6, %mul3A_18 : vector<16xi32>
    %add3A_20 = arith.addi %mul3A_16, %mul3A_19 : vector<16xi32>
    %and3A = arith.constant 127 : i32
    %and3A_21 = vector.broadcast %and3A : i32 to vector<16xi32>
    %and3A_22 = arith.andi %get3A_11, %and3A_21 : vector<16xi32>
    %add3A_23 = arith.addi %add3A_20, %and3A_22 : vector<16xi32>
    %swap3A = arith.constant 0 : index
    %swap3A_24 = tpu.vector_load %arg6[%swap3A] {strides = array<i32>} : memref<512xi32, #tpu.memory_space<vmem>>, vector<16xi32>,
    %swap3A_25 = vector.shape_cast %swap3A_24 : vector<16xi32> to vector<16xi32>
    %swap3A_26 = vector.shape_cast %add3A_23 : vector<16xi32> to vector<16xi32>
    tpu.vector_store %arg6[%swap3A], %swap3A_26 {strides = array<i32>} : memref<512xi32, #tpu.memory_space<vmem>>, vector<16xi32>,
    %get3A_27 = arith.constant 0 : i32
    %get3A_28 = arith.index_cast %get3A_27 : i32 to index
    %get3A_29 = arith.constant 16 : index
    %get3A_30 = tpu.vector_load %arg5[%get3A_28, %get3A_29] {strides = array<i32>} : memref<2x512xi32, #tpu.memory_space<vmem>>, vector<1x16xi32>,
    %get3A_31 = vector.shape_cast %get3A_30 : vector<1x16xi32> to vector<16xi32>
    %get3A_32 = arith.constant 1 : i32
    %get3A_33 = arith.index_cast %get3A_32 : i32 to index
    %get3A_34 = arith.constant 16 : index
    %get3A_35 = tpu.vector_load %arg5[%get3A_33, %get3A_34] {strides = array<i32>} : memref<2x512xi32, #tpu.memory_space<vmem>>, vector<1x16xi32>,
    %get3A_36 = vector.shape_cast %get3A_35 : vector<1x16xi32> to vector<16xi32>
    %shift_right_logical3A_37 = arith.constant 7 : i32
    %shift_right_logical3A_38 = vector.broadcast %shift_right_logical3A_37 : i32 to vector<16xi32>
    %shift_right_logical3A_39 = arith.shrui %get3A_36, %shift_right_logical3A_38 : vector<16xi32>
    %mul3A_40 = arith.constant 128000 : i32
    %mul3A_41 = vector.broadcast %mul3A_40 : i32 to vector<16xi32>
    %mul3A_42 = arith.muli %shift_right_logical3A_39, %mul3A_41 : vector<16xi32>
    %mul3A_43 = arith.constant 128 : i32
    %mul3A_44 = vector.broadcast %mul3A_43 : i32 to vector<16xi32>
    %mul3A_45 = arith.muli %get3A_31, %mul3A_44 : vector<16xi32>
    %add3A_46 = arith.addi %mul3A_42, %mul3A_45 : vector<16xi32>
    %and3A_47 = arith.constant 127 : i32
    %and3A_48 = vector.broadcast %and3A_47 : i32 to vector<16xi32>
    %and3A_49 = arith.andi %get3A_36, %and3A_48 : vector<16xi32>
    %add3A_50 = arith.addi %add3A_46, %and3A_49 : vector<16xi32>
    %swap3A_51 = arith.constant 16 : index
    %swap3A_52 = tpu.vector_load %arg6[%swap3A_51] {strides = array<i32>} : memref<512xi32, #tpu.memory_space<vmem>>, vector<16xi32>,
    %swap3A_53 = vector.shape_cast %swap3A_52 : vector<16xi32> to vector<16xi32>
    %swap3A_54 = vector.shape_cast %add3A_50 : vector<16xi32> to vector<16xi32>
    tpu.vector_store %arg6[%swap3A_51], %swap3A_54 {strides = array<i32>} : memref<512xi32, #tpu.memory_space<vmem>>, vector<16xi32>,
    %get3A_55 = arith.constant 0 : i32
    %get3A_56 = arith.index_cast %get3A_55 : i32 to index
    %get3A_57 = arith.constant 32 : index
    %get3A_58 = tpu.vector_load %arg5[%get3A_56, %get3A_57] {strides = array<i32>} : memref<2x512xi32, #tpu.memory_space<vmem>>, vector<1x16xi32>,
    %get3A_59 = vector.shape_cast %get3A_58 : vector<1x16xi32> to vector<16xi32>
    %get3A_60 = arith.constant 1 : i32
    %get3A_61 = arith.index_cast %get3A_60 : i32 to index
    %get3A_62 = arith.constant 32 : index
    %get3A_63 = tpu.vector_load %arg5[%get3A_61, %get3A_62] {strides = array<i32>} : memref<2x512xi32, #tpu.memory_space<vmem>>, vector<1x16xi32>,
    %get3A_64 = vector.shape_cast %get3A_63 : vector<1x16xi32> to vector<16xi32>
    %shift_right_logical3A_65 = arith.constant 7 : i32
    %shift_right_logical3A_66 = vector.broadcast %shift_right_logical3A_65 : i32 to vector<16xi32>
    %shift_right_logical3A_67 = arith.shrui %get3A_64, %shift_right_logical3A_66 : vector<16xi32>
    %mul3A_68 = arith.constant 128000 : i32
    %mul3A_69 = vector.broadcast %mul3A_68 : i32 to vector<16xi32>
    %mul3A_70 = arith.muli %shift_right_logical3A_67, %mul3A_69 : vector<16xi32>
    %mul3A_71 = arith.constant 128 : i32
    %mul3A_72 = vector.broadcast %mul3A_71 : i32 to vector<16xi32>
    %mul3A_73 = arith.muli %get3A_59, %mul3A_72 : vector<16xi32>
    %add3A_74 = arith.addi %mul3A_70, %mul3A_73 : vector<16xi32>
    %and3A_75 = arith.constant 127 : i32
    %and3A_76 = vector.broadcast %and3A_75 : i32 to vector<16xi32>
    %and3A_77 = arith.andi %get3A_64, %and3A_76 : vector<16xi32>
    %add3A_78 = arith.addi %add3A_74, %and3A_77 : vector<16xi32>
    %swap3A_79 = arith.constant 32 : index
    %swap3A_80 = tpu.vector_load %arg6[%swap3A_79] {strides = array<i32>} : memref<512xi32, #tpu.memory_space<vmem>>, vector<16xi32>,
    %swap3A_81 = vector.shape_cast %swap3A_80 : vector<16xi32> to vector<16xi32>
    %swap3A_82 = vector.shape_cast %add3A_78 : vector<16xi32> to vector<16xi32>
    tpu.vector_store %arg6[%swap3A_79], %swap3A_82 {strides = array<i32>} : memref<512xi32, #tpu.memory_space<vmem>>, vector<16xi32>,
    %get3A_83 = arith.constant 0 : i32
    %get3A_84 = arith.index_cast %get3A_83 : i32 to index
    %get3A_85 = arith.constant 48 : index
    %get3A_86 = tpu.vector_load %arg5[%get3A_84, %get3A_85] {strides = array<i32>} : memref<2x512xi32, #tpu.memory_space<vmem>>, vector<1x16xi32>,
    %get3A_87 = vector.shape_cast %get3A_86 : vector<1x16xi32> to vector<16xi32>
    %get3A_88 = arith.constant 1 : i32
    %get3A_89 = arith.index_cast %get3A_88 : i32 to index
    %get3A_90 = arith.constant 48 : index
    %get3A_91 = tpu.vector_load %arg5[%get3A_89, %get3A_90] {strides = array<i32>} : memref<2x512xi32, #tpu.memory_space<vmem>>, vector<1x16xi32>,
    %get3A_92 = vector.shape_cast %get3A_91 : vector<1x16xi32> to vector<16xi32>
    %shift_right_logical3A_93 = arith.constant 7 : i32
    %shift_right_logical3A_94 = vector.broadcast %shift_right_logical3A_93 : i32 to vector<16xi32>
    %shift_right_logical3A_95 = arith.shrui %get3A_92, %shift_right_logical3A_94 : vector<16xi32>
    %mul3A_96 = arith.constant 128000 : i32
    %mul3A_97 = vector.broadcast %mul3A_96 : i32 to vector<16xi32>
    %mul3A_98 = arith.muli %shift_right_logical3A_95, %mul3A_97 : vector<16xi32>
    %mul3A_99 = arith.constant 128 : i32
    %mul3A_100 = vector.broadcast %mul3A_99 : i32 to vector<16xi32>
    %mul3A_101 = arith.muli %get3A_87, %mul3A_100 : vector<16xi32>
    %add3A_102 = arith.addi %mul3A_98, %mul3A_101 : vector<16xi32>
    %and3A_103 = arith.constant 127 : i32
    %and3A_104 = vector.broadcast %and3A_103 : i32 to vector<16xi32>
    %and3A_105 = arith.andi %get3A_92, %and3A_104 : vector<16xi32>
    %add3A_106 = arith.addi %add3A_102, %and3A_105 : vector<16xi32>
    %swap3A_107 = arith.constant 48 : index
    %swap3A_108 = tpu.vector_load %arg6[%swap3A_107] {strides = array<i32>} : memref<512xi32, #tpu.memory_space<vmem>>, vector<16xi32>,
    %swap3A_109 = vector.shape_cast %swap3A_108 : vector<16xi32> to vector<16xi32>
    %swap3A_110 = vector.shape_cast %add3A_106 : vector<16xi32> to vector<16xi32>
    tpu.vector_store %arg6[%swap3A_107], %swap3A_110 {strides = array<i32>} : memref<512xi32, #tpu.memory_space<vmem>>, vector<16xi32>,
    %get3A_111 = arith.constant 0 : i32
    %get3A_112 = arith.index_cast %get3A_111 : i32 to index
    %get3A_113 = arith.constant 64 : index
    %get3A_114 = tpu.vector_load %arg5[%get3A_112, %get3A_113] {strides = array<i32>} : memref<2x512xi32, #tpu.memory_space<vmem>>, vector<1x16xi32>,
    %get3A_115 = vector.shape_cast %get3A_114 : vector<1x16xi32> to vector<16xi32>
    %get3A_116 = arith.constant 1 : i32
    %get3A_117 = arith.index_cast %get3A_116 : i32 to index
    %get3A_118 = arith.constant 64 : index
    %get3A_119 = tpu.vector_load %arg5[%get3A_117, %get3A_118] {strides = array<i32>} : memref<2x512xi32, #tpu.memory_space<vmem>>, vector<1x16xi32>,
    %get3A_120 = vector.shape_cast %get3A_119 : vector<1x16xi32> to vector<16xi32>
    %shift_right_logical3A_121 = arith.constant 7 : i32
    %shift_right_logical3A_122 = vector.broadcast %shift_right_logical3A_121 : i32 to vector<16xi32>
    %shift_right_logical3A_123 = arith.shrui %get3A_120, %shift_right_logical3A_122 : vector<16xi32>
    %mul3A_124 = arith.constant 128000 : i32
    %mul3A_125 = vector.broadcast %mul3A_124 : i32 to vector<16xi32>
    %mul3A_126 = arith.muli %shift_right_logical3A_123, %mul3A_125 : vector<16xi32>
    %mul3A_127 = arith.constant 128 : i32
    %mul3A_128 = vector.broadcast %mul3A_127 : i32 to vector<16xi32>
    %mul3A_129 = arith.muli %get3A_115, %mul3A_128 : vector<16xi32>
    %add3A_130 = arith.addi %mul3A_126, %mul3A_129 : vector<16xi32>
    %and3A_131 = arith.constant 127 : i32
    %and3A_132 = vector.broadcast %and3A_131 : i32 to vector<16xi32>
    %and3A_133 = arith.andi %get3A_120, %and3A_132 : vector<16xi32>
    %add3A_134 = arith.addi %add3A_130, %and3A_133 : vector<16xi32>
    %swap3A_135 = arith.constant 64 : index
    %swap3A_136 = tpu.vector_load %arg6[%swap3A_135] {strides = array<i32>} : memref<512xi32, #tpu.memory_space<vmem>>, vector<16xi32>,
    %swap3A_137 = vector.shape_cast %swap3A_136 : vector<16xi32> to vector<16xi32>
    %swap3A_138 = vector.shape_cast %add3A_134 : vector<16xi32> to vector<16xi32>
    tpu.vector_store %arg6[%swap3A_135], %swap3A_138 {strides = array<i32>} : memref<512xi32, #tpu.memory_space<vmem>>, vector<16xi32>,
    %get3A_139 = arith.constant 0 : i32
    %get3A_140 = arith.index_cast %get3A_139 : i32 to index
    %get3A_141 = arith.constant 80 : index
    %get3A_142 = tpu.vector_load %arg5[%get3A_140, %get3A_141] {strides = array<i32>} : memref<2x512xi32, #tpu.memory_space<vmem>>, vector<1x16xi32>,
    %get3A_143 = vector.shape_cast %get3A_142 : vector<1x16xi32> to vector<16xi32>
    %get3A_144 = arith.constant 1 : i32
    %get3A_145 = arith.index_cast %get3A_144 : i32 to index
    %get3A_146 = arith.constant 80 : index
    %get3A_147 = tpu.vector_load %arg5[%get3A_145, %get3A_146] {strides = array<i32>} : memref<2x512xi32, #tpu.memory_space<vmem>>, vector<1x16xi32>,
    %get3A_148 = vector.shape_cast %get3A_147 : vector<1x16xi32> to vector<16xi32>
    %shift_right_logical3A_149 = arith.constant 7 : i32
    %shift_right_logical3A_150 = vector.broadcast %shift_right_logical3A_149 : i32 to vector<16xi32>
    %shift_right_logical3A_151 = arith.shrui %get3A_148, %shift_right_logical3A_150 : vector<16xi32>
    %mul3A_152 = arith.constant 128000 : i32
    %mul3A_153 = vector.broadcast %mul3A_152 : i32 to vector<16xi32>
    %mul3A_154 = arith.muli %shift_right_logical3A_151, %mul3A_153 : vector<16xi32>
    %mul3A_155 = arith.constant 128 : i32
    %mul3A_156 = vector.broadcast %mul3A_155 : i32 to vector<16xi32>
    %mul3A_157 = arith.muli %get3A_143, %mul3A_156 : vector<16xi32>
    %add3A_158 = arith.addi %mul3A_154, %mul3A_157 : vector<16xi32>
    %and3A_159 = arith.constant 127 : i32
    %and3A_160 = vector.broadcast %and3A_159 : i32 to vector<16xi32>
    %and3A_161 = arith.andi %get3A_148, %and3A_160 : vector<16xi32>
    %add3A_162 = arith.addi %add3A_158, %and3A_161 : vector<16xi32>
    %swap3A_163 = arith.constant 80 : index
    %swap3A_164 = tpu.vector_load %arg6[%swap3A_163] {strides = array<i32>} : memref<512xi32, #tpu.memory_space<vmem>>, vector<16xi32>,
    %swap3A_165 = vector.shape_cast %swap3A_164 : vector<16xi32> to vector<16xi32>
    %swap3A_166 = vector.shape_cast %add3A_162 : vector<16xi32> to vector<16xi32>
    tpu.vector_store %arg6[%swap3A_163], %swap3A_166 {strides = array<i32>} : memref<512xi32, #tpu.memory_space<vmem>>, vector<16xi32>,
    %get3A_167 = arith.constant 0 : i32
    %get3A_168 = arith.index_cast %get3A_167 : i32 to index
    %get3A_169 = arith.constant 96 : index
    %get3A_170 = tpu.vector_load %arg5[%get3A_168, %get3A_169] {strides = array<i32>} : memref<2x512xi32, #tpu.memory_space<vmem>>, vector<1x16xi32>,
    %get3A_171 = vector.shape_cast %get3A_170 : vector<1x16xi32> to vector<16xi32>
    %get3A_172 = arith.constant 1 : i32
    %get3A_173 = arith.index_cast %get3A_172 : i32 to index
    %get3A_174 = arith.constant 96 : index
    %get3A_175 = tpu.vector_load %arg5[%get3A_173, %get3A_174] {strides = array<i32>} : memref<2x512xi32, #tpu.memory_space<vmem>>, vector<1x16xi32>,
    %get3A_176 = vector.shape_cast %get3A_175 : vector<1x16xi32> to vector<16xi32>
    %shift_right_logical3A_177 = arith.constant 7 : i32
    %shift_right_logical3A_178 = vector.broadcast %shift_right_logical3A_177 : i32 to vector<16xi32>
    %shift_right_logical3A_179 = arith.shrui %get3A_176, %shift_right_logical3A_178 : vector<16xi32>
    %mul3A_180 = arith.constant 128000 : i32
    %mul3A_181 = vector.broadcast %mul3A_180 : i32 to vector<16xi32>
    %mul3A_182 = arith.muli %shift_right_logical3A_179, %mul3A_181 : vector<16xi32>
    %mul3A_183 = arith.constant 128 : i32
    %mul3A_184 = vector.broadcast %mul3A_183 : i32 to vector<16xi32>
    %mul3A_185 = arith.muli %get3A_171, %mul3A_184 : vector<16xi32>
    %add3A_186 = arith.addi %mul3A_182, %mul3A_185 : vector<16xi32>
    %and3A_187 = arith.constant 127 : i32
    %and3A_188 = vector.broadcast %and3A_187 : i32 to vector<16xi32>
    %and3A_189 = arith.andi %get3A_176, %and3A_188 : vector<16xi32>
    %add3A_190 = arith.addi %add3A_186, %and3A_189 : vector<16xi32>
    %swap3A_191 = arith.constant 96 : index
    %swap3A_192 = tpu.vector_load %arg6[%swap3A_191] {strides = array<i32>} : memref<512xi32, #tpu.memory_space<vmem>>, vector<16xi32>,
    %swap3A_193 = vector.shape_cast %swap3A_192 : vector<16xi32> to vector<16xi32>
    %swap3A_194 = vector.shape_cast %add3A_190 : vector<16xi32> to vector<16xi32>
    tpu.vector_store %arg6[%swap3A_191], %swap3A_194 {strides = array<i32>} : memref<512xi32, #tpu.memory_space<vmem>>, vector<16xi32>,
    %get3A_195 = arith.constant 0 : i32
    %get3A_196 = arith.index_cast %get3A_195 : i32 to index
    %get3A_197 = arith.constant 112 : index
    %get3A_198 = tpu.vector_load %arg5[%get3A_196, %get3A_197] {strides = array<i32>} : memref<2x512xi32, #tpu.memory_space<vmem>>, vector<1x16xi32>,
    %get3A_199 = vector.shape_cast %get3A_198 : vector<1x16xi32> to vector<16xi32>
    %get3A_200 = arith.constant 1 : i32
    %get3A_201 = arith.index_cast %get3A_200 : i32 to index
    %get3A_202 = arith.constant 112 : index
    %get3A_203 = tpu.vector_load %arg5[%get3A_201, %get3A_202] {strides = array<i32>} : memref<2x512xi32, #tpu.memory_space<vmem>>, vector<1x16xi32>,
    %get3A_204 = vector.shape_cast %get3A_203 : vector<1x16xi32> to vector<16xi32>
    %shift_right_logical3A_205 = arith.constant 7 : i32
    %shift_right_logical3A_206 = vector.broadcast %shift_right_logical3A_205 : i32 to vector<16xi32>
    %shift_right_logical3A_207 = arith.shrui %get3A_204, %shift_right_logical3A_206 : vector<16xi32>
    %mul3A_208 = arith.constant 128000 : i32
    %mul3A_209 = vector.broadcast %mul3A_208 : i32 to vector<16xi32>
    %mul3A_210 = arith.muli %shift_right_logical3A_207, %mul3A_209 : vector<16xi32>
    %mul3A_211 = arith.constant 128 : i32
    %mul3A_212 = vector.broadcast %mul3A_211 : i32 to vector<16xi32>
    %mul3A_213 = arith.muli %get3A_199, %mul3A_212 : vector<16xi32>
    %add3A_214 = arith.addi %mul3A_210, %mul3A_213 : vector<16xi32>
    %and3A_215 = arith.constant 127 : i32
    %and3A_216 = vector.broadcast %and3A_215 : i32 to vector<16xi32>
    %and3A_217 = arith.andi %get3A_204, %and3A_216 : vector<16xi32>
    %add3A_218 = arith.addi %add3A_214, %and3A_217 : vector<16xi32>
    %swap3A_219 = arith.constant 112 : index
    %swap3A_220 = tpu.vector_load %arg6[%swap3A_219] {strides = array<i32>} : memref<512xi32, #tpu.memory_space<vmem>>, vector<16xi32>,
    %swap3A_221 = vector.shape_cast %swap3A_220 : vector<16xi32> to vector<16xi32>
    %swap3A_222 = vector.shape_cast %add3A_218 : vector<16xi32> to vector<16xi32>
    tpu.vector_store %arg6[%swap3A_219], %swap3A_222 {strides = array<i32>} : memref<512xi32, #tpu.memory_space<vmem>>, vector<16xi32>,
    %dma_start3A = arith.constant 0 : i32
    %dma_start3A_223 = tpu.memref_slice %arg7[%dma_start3A] : memref<512xf32, #tpu.memory_space<vmem>> -> memref<128xf32, #tpu.memory_space<vmem>>
    %dma_start3A_224 = arith.constant 0 : i32
    %dma_start3A_225 = tpu.memref_slice %arg6[%dma_start3A_224] : memref<512xi32, #tpu.memory_space<vmem>> -> memref<128xi32, #tpu.memory_space<vmem>>
    %dma_start3A_226 = arith.constant 0 : i32
    %dma_start3A_227 = tpu.memref_slice %arg3[%dma_start3A_226] : memref<1024000xf32, #tpu.memory_space<hbm>> -> memref<1024000xf32, #tpu.memory_space<hbm>>
    tpu.enqueue_indirect_dma source(%dma_start3A_227 : memref<1024000xf32, #tpu.memory_space<hbm>>) target(%dma_start3A_223 : memref<128xf32, #tpu.memory_space<vmem>>) offsets(%dma_start3A_225 : memref<128xi32, #tpu.memory_space<vmem>>) semaphore(%arg8 : memref<!tpu.dma_semaphore, #tpu.memory_space<semaphore_mem>>)
    %get3A_228 = arith.constant 0 : i32
    %get3A_229 = arith.index_cast %get3A_228 : i32 to index
    %get3A_230 = arith.constant 128 : index
    %get3A_231 = tpu.vector_load %arg5[%get3A_229, %get3A_230] {strides = array<i32>} : memref<2x512xi32, #tpu.memory_space<vmem>>, vector<1x16xi32>,
    %get3A_232 = vector.shape_cast %get3A_231 : vector<1x16xi32> to vector<16xi32>
    %get3A_233 = arith.constant 1 : i32
    %get3A_234 = arith.index_cast %get3A_233 : i32 to index
    %get3A_235 = arith.constant 128 : index
    %get3A_236 = tpu.vector_load %arg5[%get3A_234, %get3A_235] {strides = array<i32>} : memref<2x512xi32, #tpu.memory_space<vmem>>, vector<1x16xi32>,
    %get3A_237 = vector.shape_cast %get3A_236 : vector<1x16xi32> to vector<16xi32>
    %shift_right_logical3A_238 = arith.constant 7 : i32
    %shift_right_logical3A_239 = vector.broadcast %shift_right_logical3A_238 : i32 to vector<16xi32>
    %shift_right_logical3A_240 = arith.shrui %get3A_237, %shift_right_logical3A_239 : vector<16xi32>
    %mul3A_241 = arith.constant 128000 : i32
    %mul3A_242 = vector.broadcast %mul3A_241 : i32 to vector<16xi32>
    %mul3A_243 = arith.muli %shift_right_logical3A_240, %mul3A_242 : vector<16xi32>
    %mul3A_244 = arith.constant 128 : i32
    %mul3A_245 = vector.broadcast %mul3A_244 : i32 to vector<16xi32>
    %mul3A_246 = arith.muli %get3A_232, %mul3A_245 : vector<16xi32>
    %add3A_247 = arith.addi %mul3A_243, %mul3A_246 : vector<16xi32>
    %and3A_248 = arith.constant 127 : i32
    %and3A_249 = vector.broadcast %and3A_248 : i32 to vector<16xi32>
    %and3A_250 = arith.andi %get3A_237, %and3A_249 : vector<16xi32>
    %add3A_251 = arith.addi %add3A_247, %and3A_250 : vector<16xi32>
    %swap3A_252 = arith.constant 128 : index
    %swap3A_253 = tpu.vector_load %arg6[%swap3A_252] {strides = array<i32>} : memref<512xi32, #tpu.memory_space<vmem>>, vector<16xi32>,
    %swap3A_254 = vector.shape_cast %swap3A_253 : vector<16xi32> to vector<16xi32>
    %swap3A_255 = vector.shape_cast %add3A_251 : vector<16xi32> to vector<16xi32>
    tpu.vector_store %arg6[%swap3A_252], %swap3A_255 {strides = array<i32>} : memref<512xi32, #tpu.memory_space<vmem>>, vector<16xi32>,
    %get3A_256 = arith.constant 0 : i32
    %get3A_257 = arith.index_cast %get3A_256 : i32 to index
    %get3A_258 = arith.constant 144 : index
    %get3A_259 = tpu.vector_load %arg5[%get3A_257, %get3A_258] {strides = array<i32>} : memref<2x512xi32, #tpu.memory_space<vmem>>, vector<1x16xi32>,
    %get3A_260 = vector.shape_cast %get3A_259 : vector<1x16xi32> to vector<16xi32>
    %get3A_261 = arith.constant 1 : i32
    %get3A_262 = arith.index_cast %get3A_261 : i32 to index
    %get3A_263 = arith.constant 144 : index
    %get3A_264 = tpu.vector_load %arg5[%get3A_262, %get3A_263] {strides = array<i32>} : memref<2x512xi32, #tpu.memory_space<vmem>>, vector<1x16xi32>,
    %get3A_265 = vector.shape_cast %get3A_264 : vector<1x16xi32> to vector<16xi32>
    %shift_right_logical3A_266 = arith.constant 7 : i32
    %shift_right_logical3A_267 = vector.broadcast %shift_right_logical3A_266 : i32 to vector<16xi32>
    %shift_right_logical3A_268 = arith.shrui %get3A_265, %shift_right_logical3A_267 : vector<16xi32>
    %mul3A_269 = arith.constant 128000 : i32
    %mul3A_270 = vector.broadcast %mul3A_269 : i32 to vector<16xi32>
    %mul3A_271 = arith.muli %shift_right_logical3A_268, %mul3A_270 : vector<16xi32>
    %mul3A_272 = arith.constant 128 : i32
    %mul3A_273 = vector.broadcast %mul3A_272 : i32 to vector<16xi32>
    %mul3A_274 = arith.muli %get3A_260, %mul3A_273 : vector<16xi32>
    %add3A_275 = arith.addi %mul3A_271, %mul3A_274 : vector<16xi32>
    %and3A_276 = arith.constant 127 : i32
    %and3A_277 = vector.broadcast %and3A_276 : i32 to vector<16xi32>
    %and3A_278 = arith.andi %get3A_265, %and3A_277 : vector<16xi32>
    %add3A_279 = arith.addi %add3A_275, %and3A_278 : vector<16xi32>
    %swap3A_280 = arith.constant 144 : index
    %swap3A_281 = tpu.vector_load %arg6[%swap3A_280] {strides = array<i32>} : memref<512xi32, #tpu.memory_space<vmem>>, vector<16xi32>,
    %swap3A_282 = vector.shape_cast %swap3A_281 : vector<16xi32> to vector<16xi32>
    %swap3A_283 = vector.shape_cast %add3A_279 : vector<16xi32> to vector<16xi32>
    tpu.vector_store %arg6[%swap3A_280], %swap3A_283 {strides = array<i32>} : memref<512xi32, #tpu.memory_space<vmem>>, vector<16xi32>,
    %get3A_284 = arith.constant 0 : i32
    %get3A_285 = arith.index_cast %get3A_284 : i32 to index
    %get3A_286 = arith.constant 160 : index
    %get3A_287 = tpu.vector_load %arg5[%get3A_285, %get3A_286] {strides = array<i32>} : memref<2x512xi32, #tpu.memory_space<vmem>>, vector<1x16xi32>,
    %get3A_288 = vector.shape_cast %get3A_287 : vector<1x16xi32> to vector<16xi32>
    %get3A_289 = arith.constant 1 : i32
    %get3A_290 = arith.index_cast %get3A_289 : i32 to index
    %get3A_291 = arith.constant 160 : index
    %get3A_292 = tpu.vector_load %arg5[%get3A_290, %get3A_291] {strides = array<i32>} : memref<2x512xi32, #tpu.memory_space<vmem>>, vector<1x16xi32>,
    %get3A_293 = vector.shape_cast %get3A_292 : vector<1x16xi32> to vector<16xi32>
    %shift_right_logical3A_294 = arith.constant 7 : i32
    %shift_right_logical3A_295 = vector.broadcast %shift_right_logical3A_294 : i32 to vector<16xi32>
    %shift_right_logical3A_296 = arith.shrui %get3A_293, %shift_right_logical3A_295 : vector<16xi32>
    %mul3A_297 = arith.constant 128000 : i32
    %mul3A_298 = vector.broadcast %mul3A_297 : i32 to vector<16xi32>
    %mul3A_299 = arith.muli %shift_right_logical3A_296, %mul3A_298 : vector<16xi32>
    %mul3A_300 = arith.constant 128 : i32
    %mul3A_301 = vector.broadcast %mul3A_300 : i32 to vector<16xi32>
    %mul3A_302 = arith.muli %get3A_288, %mul3A_301 : vector<16xi32>
    %add3A_303 = arith.addi %mul3A_299, %mul3A_302 : vector<16xi32>
    %and3A_304 = arith.constant 127 : i32
    %and3A_305 = vector.broadcast %and3A_304 : i32 to vector<16xi32>
    %and3A_306 = arith.andi %get3A_293, %and3A_305 : vector<16xi32>
    %add3A_307 = arith.addi %add3A_303, %and3A_306 : vector<16xi32>
    %swap3A_308 = arith.constant 160 : index
    %swap3A_309 = tpu.vector_load %arg6[%swap3A_308] {strides = array<i32>} : memref<512xi32, #tpu.memory_space<vmem>>, vector<16xi32>,
    %swap3A_310 = vector.shape_cast %swap3A_309 : vector<16xi32> to vector<16xi32>
    %swap3A_311 = vector.shape_cast %add3A_307 : vector<16xi32> to vector<16xi32>
    tpu.vector_store %arg6[%swap3A_308], %swap3A_311 {strides = array<i32>} : memref<512xi32, #tpu.memory_space<vmem>>, vector<16xi32>,
    %get3A_312 = arith.constant 0 : i32
    %get3A_313 = arith.index_cast %get3A_312 : i32 to index
    %get3A_314 = arith.constant 176 : index
    %get3A_315 = tpu.vector_load %arg5[%get3A_313, %get3A_314] {strides = array<i32>} : memref<2x512xi32, #tpu.memory_space<vmem>>, vector<1x16xi32>,
    %get3A_316 = vector.shape_cast %get3A_315 : vector<1x16xi32> to vector<16xi32>
    %get3A_317 = arith.constant 1 : i32
    %get3A_318 = arith.index_cast %get3A_317 : i32 to index
    %get3A_319 = arith.constant 176 : index
    %get3A_320 = tpu.vector_load %arg5[%get3A_318, %get3A_319] {strides = array<i32>} : memref<2x512xi32, #tpu.memory_space<vmem>>, vector<1x16xi32>,
    %get3A_321 = vector.shape_cast %get3A_320 : vector<1x16xi32> to vector<16xi32>
    %shift_right_logical3A_322 = arith.constant 7 : i32
    %shift_right_logical3A_323 = vector.broadcast %shift_right_logical3A_322 : i32 to vector<16xi32>
    %shift_right_logical3A_324 = arith.shrui %get3A_321, %shift_right_logical3A_323 : vector<16xi32>
    %mul3A_325 = arith.constant 128000 : i32
    %mul3A_326 = vector.broadcast %mul3A_325 : i32 to vector<16xi32>
    %mul3A_327 = arith.muli %shift_right_logical3A_324, %mul3A_326 : vector<16xi32>
    %mul3A_328 = arith.constant 128 : i32
    %mul3A_329 = vector.broadcast %mul3A_328 : i32 to vector<16xi32>
    %mul3A_330 = arith.muli %get3A_316, %mul3A_329 : vector<16xi32>
    %add3A_331 = arith.addi %mul3A_327, %mul3A_330 : vector<16xi32>
    %and3A_332 = arith.constant 127 : i32
    %and3A_333 = vector.broadcast %and3A_332 : i32 to vector<16xi32>
    %and3A_334 = arith.andi %get3A_321, %and3A_333 : vector<16xi32>
    %add3A_335 = arith.addi %add3A_331, %and3A_334 : vector<16xi32>
    %swap3A_336 = arith.constant 176 : index
    %swap3A_337 = tpu.vector_load %arg6[%swap3A_336] {strides = array<i32>} : memref<512xi32, #tpu.memory_space<vmem>>, vector<16xi32>,
    %swap3A_338 = vector.shape_cast %swap3A_337 : vector<16xi32> to vector<16xi32>
    %swap3A_339 = vector.shape_cast %add3A_335 : vector<16xi32> to vector<16xi32>
    tpu.vector_store %arg6[%swap3A_336], %swap3A_339 {strides = array<i32>} : memref<512xi32, #tpu.memory_space<vmem>>, vector<16xi32>,
    %get3A_340 = arith.constant 0 : i32
    %get3A_341 = arith.index_cast %get3A_340 : i32 to index
    %get3A_342 = arith.constant 192 : index
    %get3A_343 = tpu.vector_load %arg5[%get3A_341, %get3A_342] {strides = array<i32>} : memref<2x512xi32, #tpu.memory_space<vmem>>, vector<1x16xi32>,
    %get3A_344 = vector.shape_cast %get3A_343 : vector<1x16xi32> to vector<16xi32>
    %get3A_345 = arith.constant 1 : i32
    %get3A_346 = arith.index_cast %get3A_345 : i32 to index
    %get3A_347 = arith.constant 192 : index
    %get3A_348 = tpu.vector_load %arg5[%get3A_346, %get3A_347] {strides = array<i32>} : memref<2x512xi32, #tpu.memory_space<vmem>>, vector<1x16xi32>,
    %get3A_349 = vector.shape_cast %get3A_348 : vector<1x16xi32> to vector<16xi32>
    %shift_right_logical3A_350 = arith.constant 7 : i32
    %shift_right_logical3A_351 = vector.broadcast %shift_right_logical3A_350 : i32 to vector<16xi32>
    %shift_right_logical3A_352 = arith.shrui %get3A_349, %shift_right_logical3A_351 : vector<16xi32>
    %mul3A_353 = arith.constant 128000 : i32
    %mul3A_354 = vector.broadcast %mul3A_353 : i32 to vector<16xi32>
    %mul3A_355 = arith.muli %shift_right_logical3A_352, %mul3A_354 : vector<16xi32>
    %mul3A_356 = arith.constant 128 : i32
    %mul3A_357 = vector.broadcast %mul3A_356 : i32 to vector<16xi32>
    %mul3A_358 = arith.muli %get3A_344, %mul3A_357 : vector<16xi32>
    %add3A_359 = arith.addi %mul3A_355, %mul3A_358 : vector<16xi32>
    %and3A_360 = arith.constant 127 : i32
    %and3A_361 = vector.broadcast %and3A_360 : i32 to vector<16xi32>
    %and3A_362 = arith.andi %get3A_349, %and3A_361 : vector<16xi32>
    %add3A_363 = arith.addi %add3A_359, %and3A_362 : vector<16xi32>
    %swap3A_364 = arith.constant 192 : index
    %swap3A_365 = tpu.vector_load %arg6[%swap3A_364] {strides = array<i32>} : memref<512xi32, #tpu.memory_space<vmem>>, vector<16xi32>,
    %swap3A_366 = vector.shape_cast %swap3A_365 : vector<16xi32> to vector<16xi32>
    %swap3A_367 = vector.shape_cast %add3A_363 : vector<16xi32> to vector<16xi32>
    tpu.vector_store %arg6[%swap3A_364], %swap3A_367 {strides = array<i32>} : memref<512xi32, #tpu.memory_space<vmem>>, vector<16xi32>,
    %get3A_368 = arith.constant 0 : i32
    %get3A_369 = arith.index_cast %get3A_368 : i32 to index
    %get3A_370 = arith.constant 208 : index
    %get3A_371 = tpu.vector_load %arg5[%get3A_369, %get3A_370] {strides = array<i32>} : memref<2x512xi32, #tpu.memory_space<vmem>>, vector<1x16xi32>,
    %get3A_372 = vector.shape_cast %get3A_371 : vector<1x16xi32> to vector<16xi32>
    %get3A_373 = arith.constant 1 : i32
    %get3A_374 = arith.index_cast %get3A_373 : i32 to index
    %get3A_375 = arith.constant 208 : index
    %get3A_376 = tpu.vector_load %arg5[%get3A_374, %get3A_375] {strides = array<i32>} : memref<2x512xi32, #tpu.memory_space<vmem>>, vector<1x16xi32>,
    %get3A_377 = vector.shape_cast %get3A_376 : vector<1x16xi32> to vector<16xi32>
    %shift_right_logical3A_378 = arith.constant 7 : i32
    %shift_right_logical3A_379 = vector.broadcast %shift_right_logical3A_378 : i32 to vector<16xi32>
    %shift_right_logical3A_380 = arith.shrui %get3A_377, %shift_right_logical3A_379 : vector<16xi32>
    %mul3A_381 = arith.constant 128000 : i32
    %mul3A_382 = vector.broadcast %mul3A_381 : i32 to vector<16xi32>
    %mul3A_383 = arith.muli %shift_right_logical3A_380, %mul3A_382 : vector<16xi32>
    %mul3A_384 = arith.constant 128 : i32
    %mul3A_385 = vector.broadcast %mul3A_384 : i32 to vector<16xi32>
    %mul3A_386 = arith.muli %get3A_372, %mul3A_385 : vector<16xi32>
    %add3A_387 = arith.addi %mul3A_383, %mul3A_386 : vector<16xi32>
    %and3A_388 = arith.constant 127 : i32
    %and3A_389 = vector.broadcast %and3A_388 : i32 to vector<16xi32>
    %and3A_390 = arith.andi %get3A_377, %and3A_389 : vector<16xi32>
    %add3A_391 = arith.addi %add3A_387, %and3A_390 : vector<16xi32>
    %swap3A_392 = arith.constant 208 : index
    %swap3A_393 = tpu.vector_load %arg6[%swap3A_392] {strides = array<i32>} : memref<512xi32, #tpu.memory_space<vmem>>, vector<16xi32>,
    %swap3A_394 = vector.shape_cast %swap3A_393 : vector<16xi32> to vector<16xi32>
    %swap3A_395 = vector.shape_cast %add3A_391 : vector<16xi32> to vector<16xi32>
    tpu.vector_store %arg6[%swap3A_392], %swap3A_395 {strides = array<i32>} : memref<512xi32, #tpu.memory_space<vmem>>, vector<16xi32>,
    %get3A_396 = arith.constant 0 : i32
    %get3A_397 = arith.index_cast %get3A_396 : i32 to index
    %get3A_398 = arith.constant 224 : index
    %get3A_399 = tpu.vector_load %arg5[%get3A_397, %get3A_398] {strides = array<i32>} : memref<2x512xi32, #tpu.memory_space<vmem>>, vector<1x16xi32>,
    %get3A_400 = vector.shape_cast %get3A_399 : vector<1x16xi32> to vector<16xi32>
    %get3A_401 = arith.constant 1 : i32
    %get3A_402 = arith.index_cast %get3A_401 : i32 to index
    %get3A_403 = arith.constant 224 : index
    %get3A_404 = tpu.vector_load %arg5[%get3A_402, %get3A_403] {strides = array<i32>} : memref<2x512xi32, #tpu.memory_space<vmem>>, vector<1x16xi32>,
    %get3A_405 = vector.shape_cast %get3A_404 : vector<1x16xi32> to vector<16xi32>
    %shift_right_logical3A_406 = arith.constant 7 : i32
    %shift_right_logical3A_407 = vector.broadcast %shift_right_logical3A_406 : i32 to vector<16xi32>
    %shift_right_logical3A_408 = arith.shrui %get3A_405, %shift_right_logical3A_407 : vector<16xi32>
    %mul3A_409 = arith.constant 128000 : i32
    %mul3A_410 = vector.broadcast %mul3A_409 : i32 to vector<16xi32>
    %mul3A_411 = arith.muli %shift_right_logical3A_408, %mul3A_410 : vector<16xi32>
    %mul3A_412 = arith.constant 128 : i32
    %mul3A_413 = vector.broadcast %mul3A_412 : i32 to vector<16xi32>
    %mul3A_414 = arith.muli %get3A_400, %mul3A_413 : vector<16xi32>
    %add3A_415 = arith.addi %mul3A_411, %mul3A_414 : vector<16xi32>
    %and3A_416 = arith.constant 127 : i32
    %and3A_417 = vector.broadcast %and3A_416 : i32 to vector<16xi32>
    %and3A_418 = arith.andi %get3A_405, %and3A_417 : vector<16xi32>
    %add3A_419 = arith.addi %add3A_415, %and3A_418 : vector<16xi32>
    %swap3A_420 = arith.constant 224 : index
    %swap3A_421 = tpu.vector_load %arg6[%swap3A_420] {strides = array<i32>} : memref<512xi32, #tpu.memory_space<vmem>>, vector<16xi32>,
    %swap3A_422 = vector.shape_cast %swap3A_421 : vector<16xi32> to vector<16xi32>
    %swap3A_423 = vector.shape_cast %add3A_419 : vector<16xi32> to vector<16xi32>
    tpu.vector_store %arg6[%swap3A_420], %swap3A_423 {strides = array<i32>} : memref<512xi32, #tpu.memory_space<vmem>>, vector<16xi32>,
    %get3A_424 = arith.constant 0 : i32
    %get3A_425 = arith.index_cast %get3A_424 : i32 to index
    %get3A_426 = arith.constant 240 : index
    %get3A_427 = tpu.vector_load %arg5[%get3A_425, %get3A_426] {strides = array<i32>} : memref<2x512xi32, #tpu.memory_space<vmem>>, vector<1x16xi32>,
    %get3A_428 = vector.shape_cast %get3A_427 : vector<1x16xi32> to vector<16xi32>
    %get3A_429 = arith.constant 1 : i32
    %get3A_430 = arith.index_cast %get3A_429 : i32 to index
    %get3A_431 = arith.constant 240 : index
    %get3A_432 = tpu.vector_load %arg5[%get3A_430, %get3A_431] {strides = array<i32>} : memref<2x512xi32, #tpu.memory_space<vmem>>, vector<1x16xi32>,
    %get3A_433 = vector.shape_cast %get3A_432 : vector<1x16xi32> to vector<16xi32>
    %shift_right_logical3A_434 = arith.constant 7 : i32
    %shift_right_logical3A_435 = vector.broadcast %shift_right_logical3A_434 : i32 to vector<16xi32>
    %shift_right_logical3A_436 = arith.shrui %get3A_433, %shift_right_logical3A_435 : vector<16xi32>
    %mul3A_437 = arith.constant 128000 : i32
    %mul3A_438 = vector.broadcast %mul3A_437 : i32 to vector<16xi32>
    %mul3A_439 = arith.muli %shift_right_logical3A_436, %mul3A_438 : vector<16xi32>
    %mul3A_440 = arith.constant 128 : i32
    %mul3A_441 = vector.broadcast %mul3A_440 : i32 to vector<16xi32>
    %mul3A_442 = arith.muli %get3A_428, %mul3A_441 : vector<16xi32>
    %add3A_443 = arith.addi %mul3A_439, %mul3A_442 : vector<16xi32>
    %and3A_444 = arith.constant 127 : i32
    %and3A_445 = vector.broadcast %and3A_444 : i32 to vector<16xi32>
    %and3A_446 = arith.andi %get3A_433, %and3A_445 : vector<16xi32>
    %add3A_447 = arith.addi %add3A_443, %and3A_446 : vector<16xi32>
    %swap3A_448 = arith.constant 240 : index
    %swap3A_449 = tpu.vector_load %arg6[%swap3A_448] {strides = array<i32>} : memref<512xi32, #tpu.memory_space<vmem>>, vector<16xi32>,
    %swap3A_450 = vector.shape_cast %swap3A_449 : vector<16xi32> to vector<16xi32>
    %swap3A_451 = vector.shape_cast %add3A_447 : vector<16xi32> to vector<16xi32>
    tpu.vector_store %arg6[%swap3A_448], %swap3A_451 {strides = array<i32>} : memref<512xi32, #tpu.memory_space<vmem>>, vector<16xi32>,
    %dma_start3A_452 = arith.constant 128 : i32
    %dma_start3A_453 = tpu.memref_slice %arg7[%dma_start3A_452] : memref<512xf32, #tpu.memory_space<vmem>> -> memref<128xf32, #tpu.memory_space<vmem>>
    %dma_start3A_454 = arith.constant 128 : i32
    %dma_start3A_455 = tpu.memref_slice %arg6[%dma_start3A_454] : memref<512xi32, #tpu.memory_space<vmem>> -> memref<128xi32, #tpu.memory_space<vmem>>
    %dma_start3A_456 = arith.constant 0 : i32
    %dma_start3A_457 = tpu.memref_slice %arg3[%dma_start3A_456] : memref<1024000xf32, #tpu.memory_space<hbm>> -> memref<1024000xf32, #tpu.memory_space<hbm>>
    tpu.enqueue_indirect_dma source(%dma_start3A_457 : memref<1024000xf32, #tpu.memory_space<hbm>>) target(%dma_start3A_453 : memref<128xf32, #tpu.memory_space<vmem>>) offsets(%dma_start3A_455 : memref<128xi32, #tpu.memory_space<vmem>>) semaphore(%arg8 : memref<!tpu.dma_semaphore, #tpu.memory_space<semaphore_mem>>)
    %get3A_458 = arith.constant 0 : i32
    %get3A_459 = arith.index_cast %get3A_458 : i32 to index
    %get3A_460 = arith.constant 256 : index
    %get3A_461 = tpu.vector_load %arg5[%get3A_459, %get3A_460] {strides = array<i32>} : memref<2x512xi32, #tpu.memory_space<vmem>>, vector<1x16xi32>,
    %get3A_462 = vector.shape_cast %get3A_461 : vector<1x16xi32> to vector<16xi32>
    %get3A_463 = arith.constant 1 : i32
    %get3A_464 = arith.index_cast %get3A_463 : i32 to index
    %get3A_465 = arith.constant 256 : index
    %get3A_466 = tpu.vector_load %arg5[%get3A_464, %get3A_465] {strides = array<i32>} : memref<2x512xi32, #tpu.memory_space<vmem>>, vector<1x16xi32>,
    %get3A_467 = vector.shape_cast %get3A_466 : vector<1x16xi32> to vector<16xi32>
    %shift_right_logical3A_468 = arith.constant 7 : i32
    %shift_right_logical3A_469 = vector.broadcast %shift_right_logical3A_468 : i32 to vector<16xi32>
    %shift_right_logical3A_470 = arith.shrui %get3A_467, %shift_right_logical3A_469 : vector<16xi32>
    %mul3A_471 = arith.constant 128000 : i32
    %mul3A_472 = vector.broadcast %mul3A_471 : i32 to vector<16xi32>
    %mul3A_473 = arith.muli %shift_right_logical3A_470, %mul3A_472 : vector<16xi32>
    %mul3A_474 = arith.constant 128 : i32
    %mul3A_475 = vector.broadcast %mul3A_474 : i32 to vector<16xi32>
    %mul3A_476 = arith.muli %get3A_462, %mul3A_475 : vector<16xi32>
    %add3A_477 = arith.addi %mul3A_473, %mul3A_476 : vector<16xi32>
    %and3A_478 = arith.constant 127 : i32
    %and3A_479 = vector.broadcast %and3A_478 : i32 to vector<16xi32>
    %and3A_480 = arith.andi %get3A_467, %and3A_479 : vector<16xi32>
    %add3A_481 = arith.addi %add3A_477, %and3A_480 : vector<16xi32>
    %swap3A_482 = arith.constant 256 : index
    %swap3A_483 = tpu.vector_load %arg6[%swap3A_482] {strides = array<i32>} : memref<512xi32, #tpu.memory_space<vmem>>, vector<16xi32>,
    %swap3A_484 = vector.shape_cast %swap3A_483 : vector<16xi32> to vector<16xi32>
    %swap3A_485 = vector.shape_cast %add3A_481 : vector<16xi32> to vector<16xi32>
    tpu.vector_store %arg6[%swap3A_482], %swap3A_485 {strides = array<i32>} : memref<512xi32, #tpu.memory_space<vmem>>, vector<16xi32>,
    %get3A_486 = arith.constant 0 : i32
    %get3A_487 = arith.index_cast %get3A_486 : i32 to index
    %get3A_488 = arith.constant 272 : index
    %get3A_489 = tpu.vector_load %arg5[%get3A_487, %get3A_488] {strides = array<i32>} : memref<2x512xi32, #tpu.memory_space<vmem>>, vector<1x16xi32>,
    %get3A_490 = vector.shape_cast %get3A_489 : vector<1x16xi32> to vector<16xi32>
    %get3A_491 = arith.constant 1 : i32
    %get3A_492 = arith.index_cast %get3A_491 : i32 to index
    %get3A_493 = arith.constant 272 : index
    %get3A_494 = tpu.vector_load %arg5[%get3A_492, %get3A_493] {strides = array<i32>} : memref<2x512xi32, #tpu.memory_space<vmem>>, vector<1x16xi32>,
    %get3A_495 = vector.shape_cast %get3A_494 : vector<1x16xi32> to vector<16xi32>
    %shift_right_logical3A_496 = arith.constant 7 : i32
    %shift_right_logical3A_497 = vector.broadcast %shift_right_logical3A_496 : i32 to vector<16xi32>
    %shift_right_logical3A_498 = arith.shrui %get3A_495, %shift_right_logical3A_497 : vector<16xi32>
    %mul3A_499 = arith.constant 128000 : i32
    %mul3A_500 = vector.broadcast %mul3A_499 : i32 to vector<16xi32>
    %mul3A_501 = arith.muli %shift_right_logical3A_498, %mul3A_500 : vector<16xi32>
    %mul3A_502 = arith.constant 128 : i32
    %mul3A_503 = vector.broadcast %mul3A_502 : i32 to vector<16xi32>
    %mul3A_504 = arith.muli %get3A_490, %mul3A_503 : vector<16xi32>
    %add3A_505 = arith.addi %mul3A_501, %mul3A_504 : vector<16xi32>
    %and3A_506 = arith.constant 127 : i32
    %and3A_507 = vector.broadcast %and3A_506 : i32 to vector<16xi32>
    %and3A_508 = arith.andi %get3A_495, %and3A_507 : vector<16xi32>
    %add3A_509 = arith.addi %add3A_505, %and3A_508 : vector<16xi32>
    %swap3A_510 = arith.constant 272 : index
    %swap3A_511 = tpu.vector_load %arg6[%swap3A_510] {strides = array<i32>} : memref<512xi32, #tpu.memory_space<vmem>>, vector<16xi32>,
    %swap3A_512 = vector.shape_cast %swap3A_511 : vector<16xi32> to vector<16xi32>
    %swap3A_513 = vector.shape_cast %add3A_509 : vector<16xi32> to vector<16xi32>
    tpu.vector_store %arg6[%swap3A_510], %swap3A_513 {strides = array<i32>} : memref<512xi32, #tpu.memory_space<vmem>>, vector<16xi32>,
    %get3A_514 = arith.constant 0 : i32
    %get3A_515 = arith.index_cast %get3A_514 : i32 to index
    %get3A_516 = arith.constant 288 : index
    %get3A_517 = tpu.vector_load %arg5[%get3A_515, %get3A_516] {strides = array<i32>} : memref<2x512xi32, #tpu.memory_space<vmem>>, vector<1x16xi32>,
    %get3A_518 = vector.shape_cast %get3A_517 : vector<1x16xi32> to vector<16xi32>
    %get3A_519 = arith.constant 1 : i32
    %get3A_520 = arith.index_cast %get3A_519 : i32 to index
    %get3A_521 = arith.constant 288 : index
    %get3A_522 = tpu.vector_load %arg5[%get3A_520, %get3A_521] {strides = array<i32>} : memref<2x512xi32, #tpu.memory_space<vmem>>, vector<1x16xi32>,
    %get3A_523 = vector.shape_cast %get3A_522 : vector<1x16xi32> to vector<16xi32>
    %shift_right_logical3A_524 = arith.constant 7 : i32
    %shift_right_logical3A_525 = vector.broadcast %shift_right_logical3A_524 : i32 to vector<16xi32>
    %shift_right_logical3A_526 = arith.shrui %get3A_523, %shift_right_logical3A_525 : vector<16xi32>
    %mul3A_527 = arith.constant 128000 : i32
    %mul3A_528 = vector.broadcast %mul3A_527 : i32 to vector<16xi32>
    %mul3A_529 = arith.muli %shift_right_logical3A_526, %mul3A_528 : vector<16xi32>
    %mul3A_530 = arith.constant 128 : i32
    %mul3A_531 = vector.broadcast %mul3A_530 : i32 to vector<16xi32>
    %mul3A_532 = arith.muli %get3A_518, %mul3A_531 : vector<16xi32>
    %add3A_533 = arith.addi %mul3A_529, %mul3A_532 : vector<16xi32>
    %and3A_534 = arith.constant 127 : i32
    %and3A_535 = vector.broadcast %and3A_534 : i32 to vector<16xi32>
    %and3A_536 = arith.andi %get3A_523, %and3A_535 : vector<16xi32>
    %add3A_537 = arith.addi %add3A_533, %and3A_536 : vector<16xi32>
    %swap3A_538 = arith.constant 288 : index
    %swap3A_539 = tpu.vector_load %arg6[%swap3A_538] {strides = array<i32>} : memref<512xi32, #tpu.memory_space<vmem>>, vector<16xi32>,
    %swap3A_540 = vector.shape_cast %swap3A_539 : vector<16xi32> to vector<16xi32>
    %swap3A_541 = vector.shape_cast %add3A_537 : vector<16xi32> to vector<16xi32>
    tpu.vector_store %arg6[%swap3A_538], %swap3A_541 {strides = array<i32>} : memref<512xi32, #tpu.memory_space<vmem>>, vector<16xi32>,
    %get3A_542 = arith.constant 0 : i32
    %get3A_543 = arith.index_cast %get3A_542 : i32 to index
    %get3A_544 = arith.constant 304 : index
    %get3A_545 = tpu.vector_load %arg5[%get3A_543, %get3A_544] {strides = array<i32>} : memref<2x512xi32, #tpu.memory_space<vmem>>, vector<1x16xi32>,
    %get3A_546 = vector.shape_cast %get3A_545 : vector<1x16xi32> to vector<16xi32>
    %get3A_547 = arith.constant 1 : i32
    %get3A_548 = arith.index_cast %get3A_547 : i32 to index
    %get3A_549 = arith.constant 304 : index
    %get3A_550 = tpu.vector_load %arg5[%get3A_548, %get3A_549] {strides = array<i32>} : memref<2x512xi32, #tpu.memory_space<vmem>>, vector<1x16xi32>,
    %get3A_551 = vector.shape_cast %get3A_550 : vector<1x16xi32> to vector<16xi32>
    %shift_right_logical3A_552 = arith.constant 7 : i32
    %shift_right_logical3A_553 = vector.broadcast %shift_right_logical3A_552 : i32 to vector<16xi32>
    %shift_right_logical3A_554 = arith.shrui %get3A_551, %shift_right_logical3A_553 : vector<16xi32>
    %mul3A_555 = arith.constant 128000 : i32
    %mul3A_556 = vector.broadcast %mul3A_555 : i32 to vector<16xi32>
    %mul3A_557 = arith.muli %shift_right_logical3A_554, %mul3A_556 : vector<16xi32>
    %mul3A_558 = arith.constant 128 : i32
    %mul3A_559 = vector.broadcast %mul3A_558 : i32 to vector<16xi32>
    %mul3A_560 = arith.muli %get3A_546, %mul3A_559 : vector<16xi32>
    %add3A_561 = arith.addi %mul3A_557, %mul3A_560 : vector<16xi32>
    %and3A_562 = arith.constant 127 : i32
    %and3A_563 = vector.broadcast %and3A_562 : i32 to vector<16xi32>
    %and3A_564 = arith.andi %get3A_551, %and3A_563 : vector<16xi32>
    %add3A_565 = arith.addi %add3A_561, %and3A_564 : vector<16xi32>
    %swap3A_566 = arith.constant 304 : index
    %swap3A_567 = tpu.vector_load %arg6[%swap3A_566] {strides = array<i32>} : memref<512xi32, #tpu.memory_space<vmem>>, vector<16xi32>,
    %swap3A_568 = vector.shape_cast %swap3A_567 : vector<16xi32> to vector<16xi32>
    %swap3A_569 = vector.shape_cast %add3A_565 : vector<16xi32> to vector<16xi32>
    tpu.vector_store %arg6[%swap3A_566], %swap3A_569 {strides = array<i32>} : memref<512xi32, #tpu.memory_space<vmem>>, vector<16xi32>,
    %get3A_570 = arith.constant 0 : i32
    %get3A_571 = arith.index_cast %get3A_570 : i32 to index
    %get3A_572 = arith.constant 320 : index
    %get3A_573 = tpu.vector_load %arg5[%get3A_571, %get3A_572] {strides = array<i32>} : memref<2x512xi32, #tpu.memory_space<vmem>>, vector<1x16xi32>,
    %get3A_574 = vector.shape_cast %get3A_573 : vector<1x16xi32> to vector<16xi32>
    %get3A_575 = arith.constant 1 : i32
    %get3A_576 = arith.index_cast %get3A_575 : i32 to index
    %get3A_577 = arith.constant 320 : index
    %get3A_578 = tpu.vector_load %arg5[%get3A_576, %get3A_577] {strides = array<i32>} : memref<2x512xi32, #tpu.memory_space<vmem>>, vector<1x16xi32>,
    %get3A_579 = vector.shape_cast %get3A_578 : vector<1x16xi32> to vector<16xi32>
    %shift_right_logical3A_580 = arith.constant 7 : i32
    %shift_right_logical3A_581 = vector.broadcast %shift_right_logical3A_580 : i32 to vector<16xi32>
    %shift_right_logical3A_582 = arith.shrui %get3A_579, %shift_right_logical3A_581 : vector<16xi32>
    %mul3A_583 = arith.constant 128000 : i32
    %mul3A_584 = vector.broadcast %mul3A_583 : i32 to vector<16xi32>
    %mul3A_585 = arith.muli %shift_right_logical3A_582, %mul3A_584 : vector<16xi32>
    %mul3A_586 = arith.constant 128 : i32
    %mul3A_587 = vector.broadcast %mul3A_586 : i32 to vector<16xi32>
    %mul3A_588 = arith.muli %get3A_574, %mul3A_587 : vector<16xi32>
    %add3A_589 = arith.addi %mul3A_585, %mul3A_588 : vector<16xi32>
    %and3A_590 = arith.constant 127 : i32
    %and3A_591 = vector.broadcast %and3A_590 : i32 to vector<16xi32>
    %and3A_592 = arith.andi %get3A_579, %and3A_591 : vector<16xi32>
    %add3A_593 = arith.addi %add3A_589, %and3A_592 : vector<16xi32>
    %swap3A_594 = arith.constant 320 : index
    %swap3A_595 = tpu.vector_load %arg6[%swap3A_594] {strides = array<i32>} : memref<512xi32, #tpu.memory_space<vmem>>, vector<16xi32>,
    %swap3A_596 = vector.shape_cast %swap3A_595 : vector<16xi32> to vector<16xi32>
    %swap3A_597 = vector.shape_cast %add3A_593 : vector<16xi32> to vector<16xi32>
    tpu.vector_store %arg6[%swap3A_594], %swap3A_597 {strides = array<i32>} : memref<512xi32, #tpu.memory_space<vmem>>, vector<16xi32>,
    %get3A_598 = arith.constant 0 : i32
    %get3A_599 = arith.index_cast %get3A_598 : i32 to index
    %get3A_600 = arith.constant 336 : index
    %get3A_601 = tpu.vector_load %arg5[%get3A_599, %get3A_600] {strides = array<i32>} : memref<2x512xi32, #tpu.memory_space<vmem>>, vector<1x16xi32>,
    %get3A_602 = vector.shape_cast %get3A_601 : vector<1x16xi32> to vector<16xi32>
    %get3A_603 = arith.constant 1 : i32
    %get3A_604 = arith.index_cast %get3A_603 : i32 to index
    %get3A_605 = arith.constant 336 : index
    %get3A_606 = tpu.vector_load %arg5[%get3A_604, %get3A_605] {strides = array<i32>} : memref<2x512xi32, #tpu.memory_space<vmem>>, vector<1x16xi32>,
    %get3A_607 = vector.shape_cast %get3A_606 : vector<1x16xi32> to vector<16xi32>
    %shift_right_logical3A_608 = arith.constant 7 : i32
    %shift_right_logical3A_609 = vector.broadcast %shift_right_logical3A_608 : i32 to vector<16xi32>
    %shift_right_logical3A_610 = arith.shrui %get3A_607, %shift_right_logical3A_609 : vector<16xi32>
    %mul3A_611 = arith.constant 128000 : i32
    %mul3A_612 = vector.broadcast %mul3A_611 : i32 to vector<16xi32>
    %mul3A_613 = arith.muli %shift_right_logical3A_610, %mul3A_612 : vector<16xi32>
    %mul3A_614 = arith.constant 128 : i32
    %mul3A_615 = vector.broadcast %mul3A_614 : i32 to vector<16xi32>
    %mul3A_616 = arith.muli %get3A_602, %mul3A_615 : vector<16xi32>
    %add3A_617 = arith.addi %mul3A_613, %mul3A_616 : vector<16xi32>
    %and3A_618 = arith.constant 127 : i32
    %and3A_619 = vector.broadcast %and3A_618 : i32 to vector<16xi32>
    %and3A_620 = arith.andi %get3A_607, %and3A_619 : vector<16xi32>
    %add3A_621 = arith.addi %add3A_617, %and3A_620 : vector<16xi32>
    %swap3A_622 = arith.constant 336 : index
    %swap3A_623 = tpu.vector_load %arg6[%swap3A_622] {strides = array<i32>} : memref<512xi32, #tpu.memory_space<vmem>>, vector<16xi32>,
    %swap3A_624 = vector.shape_cast %swap3A_623 : vector<16xi32> to vector<16xi32>
    %swap3A_625 = vector.shape_cast %add3A_621 : vector<16xi32> to vector<16xi32>
    tpu.vector_store %arg6[%swap3A_622], %swap3A_625 {strides = array<i32>} : memref<512xi32, #tpu.memory_space<vmem>>, vector<16xi32>,
    %get3A_626 = arith.constant 0 : i32
    %get3A_627 = arith.index_cast %get3A_626 : i32 to index
    %get3A_628 = arith.constant 352 : index
    %get3A_629 = tpu.vector_load %arg5[%get3A_627, %get3A_628] {strides = array<i32>} : memref<2x512xi32, #tpu.memory_space<vmem>>, vector<1x16xi32>,
    %get3A_630 = vector.shape_cast %get3A_629 : vector<1x16xi32> to vector<16xi32>
    %get3A_631 = arith.constant 1 : i32
    %get3A_632 = arith.index_cast %get3A_631 : i32 to index
    %get3A_633 = arith.constant 352 : index
    %get3A_634 = tpu.vector_load %arg5[%get3A_632, %get3A_633] {strides = array<i32>} : memref<2x512xi32, #tpu.memory_space<vmem>>, vector<1x16xi32>,
    %get3A_635 = vector.shape_cast %get3A_634 : vector<1x16xi32> to vector<16xi32>
    %shift_right_logical3A_636 = arith.constant 7 : i32
    %shift_right_logical3A_637 = vector.broadcast %shift_right_logical3A_636 : i32 to vector<16xi32>
    %shift_right_logical3A_638 = arith.shrui %get3A_635, %shift_right_logical3A_637 : vector<16xi32>
    %mul3A_639 = arith.constant 128000 : i32
    %mul3A_640 = vector.broadcast %mul3A_639 : i32 to vector<16xi32>
    %mul3A_641 = arith.muli %shift_right_logical3A_638, %mul3A_640 : vector<16xi32>
    %mul3A_642 = arith.constant 128 : i32
    %mul3A_643 = vector.broadcast %mul3A_642 : i32 to vector<16xi32>
    %mul3A_644 = arith.muli %get3A_630, %mul3A_643 : vector<16xi32>
    %add3A_645 = arith.addi %mul3A_641, %mul3A_644 : vector<16xi32>
    %and3A_646 = arith.constant 127 : i32
    %and3A_647 = vector.broadcast %and3A_646 : i32 to vector<16xi32>
    %and3A_648 = arith.andi %get3A_635, %and3A_647 : vector<16xi32>
    %add3A_649 = arith.addi %add3A_645, %and3A_648 : vector<16xi32>
    %swap3A_650 = arith.constant 352 : index
    %swap3A_651 = tpu.vector_load %arg6[%swap3A_650] {strides = array<i32>} : memref<512xi32, #tpu.memory_space<vmem>>, vector<16xi32>,
    %swap3A_652 = vector.shape_cast %swap3A_651 : vector<16xi32> to vector<16xi32>
    %swap3A_653 = vector.shape_cast %add3A_649 : vector<16xi32> to vector<16xi32>
    tpu.vector_store %arg6[%swap3A_650], %swap3A_653 {strides = array<i32>} : memref<512xi32, #tpu.memory_space<vmem>>, vector<16xi32>,
    %get3A_654 = arith.constant 0 : i32
    %get3A_655 = arith.index_cast %get3A_654 : i32 to index
    %get3A_656 = arith.constant 368 : index
    %get3A_657 = tpu.vector_load %arg5[%get3A_655, %get3A_656] {strides = array<i32>} : memref<2x512xi32, #tpu.memory_space<vmem>>, vector<1x16xi32>,
    %get3A_658 = vector.shape_cast %get3A_657 : vector<1x16xi32> to vector<16xi32>
    %get3A_659 = arith.constant 1 : i32
    %get3A_660 = arith.index_cast %get3A_659 : i32 to index
    %get3A_661 = arith.constant 368 : index
    %get3A_662 = tpu.vector_load %arg5[%get3A_660, %get3A_661] {strides = array<i32>} : memref<2x512xi32, #tpu.memory_space<vmem>>, vector<1x16xi32>,
    %get3A_663 = vector.shape_cast %get3A_662 : vector<1x16xi32> to vector<16xi32>
    %shift_right_logical3A_664 = arith.constant 7 : i32
    %shift_right_logical3A_665 = vector.broadcast %shift_right_logical3A_664 : i32 to vector<16xi32>
    %shift_right_logical3A_666 = arith.shrui %get3A_663, %shift_right_logical3A_665 : vector<16xi32>
    %mul3A_667 = arith.constant 128000 : i32
    %mul3A_668 = vector.broadcast %mul3A_667 : i32 to vector<16xi32>
    %mul3A_669 = arith.muli %shift_right_logical3A_666, %mul3A_668 : vector<16xi32>
    %mul3A_670 = arith.constant 128 : i32
    %mul3A_671 = vector.broadcast %mul3A_670 : i32 to vector<16xi32>
    %mul3A_672 = arith.muli %get3A_658, %mul3A_671 : vector<16xi32>
    %add3A_673 = arith.addi %mul3A_669, %mul3A_672 : vector<16xi32>
    %and3A_674 = arith.constant 127 : i32
    %and3A_675 = vector.broadcast %and3A_674 : i32 to vector<16xi32>
    %and3A_676 = arith.andi %get3A_663, %and3A_675 : vector<16xi32>
    %add3A_677 = arith.addi %add3A_673, %and3A_676 : vector<16xi32>
    %swap3A_678 = arith.constant 368 : index
    %swap3A_679 = tpu.vector_load %arg6[%swap3A_678] {strides = array<i32>} : memref<512xi32, #tpu.memory_space<vmem>>, vector<16xi32>,
    %swap3A_680 = vector.shape_cast %swap3A_679 : vector<16xi32> to vector<16xi32>
    %swap3A_681 = vector.shape_cast %add3A_677 : vector<16xi32> to vector<16xi32>
    tpu.vector_store %arg6[%swap3A_678], %swap3A_681 {strides = array<i32>} : memref<512xi32, #tpu.memory_space<vmem>>, vector<16xi32>,
    %dma_start3A_682 = arith.constant 256 : i32
    %dma_start3A_683 = tpu.memref_slice %arg7[%dma_start3A_682] : memref<512xf32, #tpu.memory_space<vmem>> -> memref<128xf32, #tpu.memory_space<vmem>>
    %dma_start3A_684 = arith.constant 256 : i32
    %dma_start3A_685 = tpu.memref_slice %arg6[%dma_start3A_684] : memref<512xi32, #tpu.memory_space<vmem>> -> memref<128xi32, #tpu.memory_space<vmem>>
    %dma_start3A_686 = arith.constant 0 : i32
    %dma_start3A_687 = tpu.memref_slice %arg3[%dma_start3A_686] : memref<1024000xf32, #tpu.memory_space<hbm>> -> memref<1024000xf32, #tpu.memory_space<hbm>>
    tpu.enqueue_indirect_dma source(%dma_start3A_687 : memref<1024000xf32, #tpu.memory_space<hbm>>) target(%dma_start3A_683 : memref<128xf32, #tpu.memory_space<vmem>>) offsets(%dma_start3A_685 : memref<128xi32, #tpu.memory_space<vmem>>) semaphore(%arg8 : memref<!tpu.dma_semaphore, #tpu.memory_space<semaphore_mem>>)
    %get3A_688 = arith.constant 0 : i32
    %get3A_689 = arith.index_cast %get3A_688 : i32 to index
    %get3A_690 = arith.constant 384 : index
    %get3A_691 = tpu.vector_load %arg5[%get3A_689, %get3A_690] {strides = array<i32>} : memref<2x512xi32, #tpu.memory_space<vmem>>, vector<1x16xi32>,
    %get3A_692 = vector.shape_cast %get3A_691 : vector<1x16xi32> to vector<16xi32>
    %get3A_693 = arith.constant 1 : i32
    %get3A_694 = arith.index_cast %get3A_693 : i32 to index
    %get3A_695 = arith.constant 384 : index
    %get3A_696 = tpu.vector_load %arg5[%get3A_694, %get3A_695] {strides = array<i32>} : memref<2x512xi32, #tpu.memory_space<vmem>>, vector<1x16xi32>,
    %get3A_697 = vector.shape_cast %get3A_696 : vector<1x16xi32> to vector<16xi32>
    %shift_right_logical3A_698 = arith.constant 7 : i32
    %shift_right_logical3A_699 = vector.broadcast %shift_right_logical3A_698 : i32 to vector<16xi32>
    %shift_right_logical3A_700 = arith.shrui %get3A_697, %shift_right_logical3A_699 : vector<16xi32>
    %mul3A_701 = arith.constant 128000 : i32
    %mul3A_702 = vector.broadcast %mul3A_701 : i32 to vector<16xi32>
    %mul3A_703 = arith.muli %shift_right_logical3A_700, %mul3A_702 : vector<16xi32>
    %mul3A_704 = arith.constant 128 : i32
    %mul3A_705 = vector.broadcast %mul3A_704 : i32 to vector<16xi32>
    %mul3A_706 = arith.muli %get3A_692, %mul3A_705 : vector<16xi32>
    %add3A_707 = arith.addi %mul3A_703, %mul3A_706 : vector<16xi32>
    %and3A_708 = arith.constant 127 : i32
    %and3A_709 = vector.broadcast %and3A_708 : i32 to vector<16xi32>
    %and3A_710 = arith.andi %get3A_697, %and3A_709 : vector<16xi32>
    %add3A_711 = arith.addi %add3A_707, %and3A_710 : vector<16xi32>
    %swap3A_712 = arith.constant 384 : index
    %swap3A_713 = tpu.vector_load %arg6[%swap3A_712] {strides = array<i32>} : memref<512xi32, #tpu.memory_space<vmem>>, vector<16xi32>,
    %swap3A_714 = vector.shape_cast %swap3A_713 : vector<16xi32> to vector<16xi32>
    %swap3A_715 = vector.shape_cast %add3A_711 : vector<16xi32> to vector<16xi32>
    tpu.vector_store %arg6[%swap3A_712], %swap3A_715 {strides = array<i32>} : memref<512xi32, #tpu.memory_space<vmem>>, vector<16xi32>,
    %get3A_716 = arith.constant 0 : i32
    %get3A_717 = arith.index_cast %get3A_716 : i32 to index
    %get3A_718 = arith.constant 400 : index
    %get3A_719 = tpu.vector_load %arg5[%get3A_717, %get3A_718] {strides = array<i32>} : memref<2x512xi32, #tpu.memory_space<vmem>>, vector<1x16xi32>,
    %get3A_720 = vector.shape_cast %get3A_719 : vector<1x16xi32> to vector<16xi32>
    %get3A_721 = arith.constant 1 : i32
    %get3A_722 = arith.index_cast %get3A_721 : i32 to index
    %get3A_723 = arith.constant 400 : index
    %get3A_724 = tpu.vector_load %arg5[%get3A_722, %get3A_723] {strides = array<i32>} : memref<2x512xi32, #tpu.memory_space<vmem>>, vector<1x16xi32>,
    %get3A_725 = vector.shape_cast %get3A_724 : vector<1x16xi32> to vector<16xi32>
    %shift_right_logical3A_726 = arith.constant 7 : i32
    %shift_right_logical3A_727 = vector.broadcast %shift_right_logical3A_726 : i32 to vector<16xi32>
    %shift_right_logical3A_728 = arith.shrui %get3A_725, %shift_right_logical3A_727 : vector<16xi32>
    %mul3A_729 = arith.constant 128000 : i32
    %mul3A_730 = vector.broadcast %mul3A_729 : i32 to vector<16xi32>
    %mul3A_731 = arith.muli %shift_right_logical3A_728, %mul3A_730 : vector<16xi32>
    %mul3A_732 = arith.constant 128 : i32
    %mul3A_733 = vector.broadcast %mul3A_732 : i32 to vector<16xi32>
    %mul3A_734 = arith.muli %get3A_720, %mul3A_733 : vector<16xi32>
    %add3A_735 = arith.addi %mul3A_731, %mul3A_734 : vector<16xi32>
    %and3A_736 = arith.constant 127 : i32
    %and3A_737 = vector.broadcast %and3A_736 : i32 to vector<16xi32>
    %and3A_738 = arith.andi %get3A_725, %and3A_737 : vector<16xi32>
    %add3A_739 = arith.addi %add3A_735, %and3A_738 : vector<16xi32>
    %swap3A_740 = arith.constant 400 : index
    %swap3A_741 = tpu.vector_load %arg6[%swap3A_740] {strides = array<i32>} : memref<512xi32, #tpu.memory_space<vmem>>, vector<16xi32>,
    %swap3A_742 = vector.shape_cast %swap3A_741 : vector<16xi32> to vector<16xi32>
    %swap3A_743 = vector.shape_cast %add3A_739 : vector<16xi32> to vector<16xi32>
    tpu.vector_store %arg6[%swap3A_740], %swap3A_743 {strides = array<i32>} : memref<512xi32, #tpu.memory_space<vmem>>, vector<16xi32>,
    %get3A_744 = arith.constant 0 : i32
    %get3A_745 = arith.index_cast %get3A_744 : i32 to index
    %get3A_746 = arith.constant 416 : index
    %get3A_747 = tpu.vector_load %arg5[%get3A_745, %get3A_746] {strides = array<i32>} : memref<2x512xi32, #tpu.memory_space<vmem>>, vector<1x16xi32>,
    %get3A_748 = vector.shape_cast %get3A_747 : vector<1x16xi32> to vector<16xi32>
    %get3A_749 = arith.constant 1 : i32
    %get3A_750 = arith.index_cast %get3A_749 : i32 to index
    %get3A_751 = arith.constant 416 : index
    %get3A_752 = tpu.vector_load %arg5[%get3A_750, %get3A_751] {strides = array<i32>} : memref<2x512xi32, #tpu.memory_space<vmem>>, vector<1x16xi32>,
    %get3A_753 = vector.shape_cast %get3A_752 : vector<1x16xi32> to vector<16xi32>
    %shift_right_logical3A_754 = arith.constant 7 : i32
    %shift_right_logical3A_755 = vector.broadcast %shift_right_logical3A_754 : i32 to vector<16xi32>
    %shift_right_logical3A_756 = arith.shrui %get3A_753, %shift_right_logical3A_755 : vector<16xi32>
    %mul3A_757 = arith.constant 128000 : i32
    %mul3A_758 = vector.broadcast %mul3A_757 : i32 to vector<16xi32>
    %mul3A_759 = arith.muli %shift_right_logical3A_756, %mul3A_758 : vector<16xi32>
    %mul3A_760 = arith.constant 128 : i32
    %mul3A_761 = vector.broadcast %mul3A_760 : i32 to vector<16xi32>
    %mul3A_762 = arith.muli %get3A_748, %mul3A_761 : vector<16xi32>
    %add3A_763 = arith.addi %mul3A_759, %mul3A_762 : vector<16xi32>
    %and3A_764 = arith.constant 127 : i32
    %and3A_765 = vector.broadcast %and3A_764 : i32 to vector<16xi32>
    %and3A_766 = arith.andi %get3A_753, %and3A_765 : vector<16xi32>
    %add3A_767 = arith.addi %add3A_763, %and3A_766 : vector<16xi32>
    %swap3A_768 = arith.constant 416 : index
    %swap3A_769 = tpu.vector_load %arg6[%swap3A_768] {strides = array<i32>} : memref<512xi32, #tpu.memory_space<vmem>>, vector<16xi32>,
    %swap3A_770 = vector.shape_cast %swap3A_769 : vector<16xi32> to vector<16xi32>
    %swap3A_771 = vector.shape_cast %add3A_767 : vector<16xi32> to vector<16xi32>
    tpu.vector_store %arg6[%swap3A_768], %swap3A_771 {strides = array<i32>} : memref<512xi32, #tpu.memory_space<vmem>>, vector<16xi32>,
    %get3A_772 = arith.constant 0 : i32
    %get3A_773 = arith.index_cast %get3A_772 : i32 to index
    %get3A_774 = arith.constant 432 : index
    %get3A_775 = tpu.vector_load %arg5[%get3A_773, %get3A_774] {strides = array<i32>} : memref<2x512xi32, #tpu.memory_space<vmem>>, vector<1x16xi32>,
    %get3A_776 = vector.shape_cast %get3A_775 : vector<1x16xi32> to vector<16xi32>
    %get3A_777 = arith.constant 1 : i32
    %get3A_778 = arith.index_cast %get3A_777 : i32 to index
    %get3A_779 = arith.constant 432 : index
    %get3A_780 = tpu.vector_load %arg5[%get3A_778, %get3A_779] {strides = array<i32>} : memref<2x512xi32, #tpu.memory_space<vmem>>, vector<1x16xi32>,
    %get3A_781 = vector.shape_cast %get3A_780 : vector<1x16xi32> to vector<16xi32>
    %shift_right_logical3A_782 = arith.constant 7 : i32
    %shift_right_logical3A_783 = vector.broadcast %shift_right_logical3A_782 : i32 to vector<16xi32>
    %shift_right_logical3A_784 = arith.shrui %get3A_781, %shift_right_logical3A_783 : vector<16xi32>
    %mul3A_785 = arith.constant 128000 : i32
    %mul3A_786 = vector.broadcast %mul3A_785 : i32 to vector<16xi32>
    %mul3A_787 = arith.muli %shift_right_logical3A_784, %mul3A_786 : vector<16xi32>
    %mul3A_788 = arith.constant 128 : i32
    %mul3A_789 = vector.broadcast %mul3A_788 : i32 to vector<16xi32>
    %mul3A_790 = arith.muli %get3A_776, %mul3A_789 : vector<16xi32>
    %add3A_791 = arith.addi %mul3A_787, %mul3A_790 : vector<16xi32>
    %and3A_792 = arith.constant 127 : i32
    %and3A_793 = vector.broadcast %and3A_792 : i32 to vector<16xi32>
    %and3A_794 = arith.andi %get3A_781, %and3A_793 : vector<16xi32>
    %add3A_795 = arith.addi %add3A_791, %and3A_794 : vector<16xi32>
    %swap3A_796 = arith.constant 432 : index
    %swap3A_797 = tpu.vector_load %arg6[%swap3A_796] {strides = array<i32>} : memref<512xi32, #tpu.memory_space<vmem>>, vector<16xi32>,
    %swap3A_798 = vector.shape_cast %swap3A_797 : vector<16xi32> to vector<16xi32>
    %swap3A_799 = vector.shape_cast %add3A_795 : vector<16xi32> to vector<16xi32>
    tpu.vector_store %arg6[%swap3A_796], %swap3A_799 {strides = array<i32>} : memref<512xi32, #tpu.memory_space<vmem>>, vector<16xi32>,
    %get3A_800 = arith.constant 0 : i32
    %get3A_801 = arith.index_cast %get3A_800 : i32 to index
    %get3A_802 = arith.constant 448 : index
    %get3A_803 = tpu.vector_load %arg5[%get3A_801, %get3A_802] {strides = array<i32>} : memref<2x512xi32, #tpu.memory_space<vmem>>, vector<1x16xi32>,
    %get3A_804 = vector.shape_cast %get3A_803 : vector<1x16xi32> to vector<16xi32>
    %get3A_805 = arith.constant 1 : i32
    %get3A_806 = arith.index_cast %get3A_805 : i32 to index
    %get3A_807 = arith.constant 448 : index
    %get3A_808 = tpu.vector_load %arg5[%get3A_806, %get3A_807] {strides = array<i32>} : memref<2x512xi32, #tpu.memory_space<vmem>>, vector<1x16xi32>,
    %get3A_809 = vector.shape_cast %get3A_808 : vector<1x16xi32> to vector<16xi32>
    %shift_right_logical3A_810 = arith.constant 7 : i32
    %shift_right_logical3A_811 = vector.broadcast %shift_right_logical3A_810 : i32 to vector<16xi32>
    %shift_right_logical3A_812 = arith.shrui %get3A_809, %shift_right_logical3A_811 : vector<16xi32>
    %mul3A_813 = arith.constant 128000 : i32
    %mul3A_814 = vector.broadcast %mul3A_813 : i32 to vector<16xi32>
    %mul3A_815 = arith.muli %shift_right_logical3A_812, %mul3A_814 : vector<16xi32>
    %mul3A_816 = arith.constant 128 : i32
    %mul3A_817 = vector.broadcast %mul3A_816 : i32 to vector<16xi32>
    %mul3A_818 = arith.muli %get3A_804, %mul3A_817 : vector<16xi32>
    %add3A_819 = arith.addi %mul3A_815, %mul3A_818 : vector<16xi32>
    %and3A_820 = arith.constant 127 : i32
    %and3A_821 = vector.broadcast %and3A_820 : i32 to vector<16xi32>
    %and3A_822 = arith.andi %get3A_809, %and3A_821 : vector<16xi32>
    %add3A_823 = arith.addi %add3A_819, %and3A_822 : vector<16xi32>
    %swap3A_824 = arith.constant 448 : index
    %swap3A_825 = tpu.vector_load %arg6[%swap3A_824] {strides = array<i32>} : memref<512xi32, #tpu.memory_space<vmem>>, vector<16xi32>,
    %swap3A_826 = vector.shape_cast %swap3A_825 : vector<16xi32> to vector<16xi32>
    %swap3A_827 = vector.shape_cast %add3A_823 : vector<16xi32> to vector<16xi32>
    tpu.vector_store %arg6[%swap3A_824], %swap3A_827 {strides = array<i32>} : memref<512xi32, #tpu.memory_space<vmem>>, vector<16xi32>,
    %get3A_828 = arith.constant 0 : i32
    %get3A_829 = arith.index_cast %get3A_828 : i32 to index
    %get3A_830 = arith.constant 464 : index
    %get3A_831 = tpu.vector_load %arg5[%get3A_829, %get3A_830] {strides = array<i32>} : memref<2x512xi32, #tpu.memory_space<vmem>>, vector<1x16xi32>,
    %get3A_832 = vector.shape_cast %get3A_831 : vector<1x16xi32> to vector<16xi32>
    %get3A_833 = arith.constant 1 : i32
    %get3A_834 = arith.index_cast %get3A_833 : i32 to index
    %get3A_835 = arith.constant 464 : index
    %get3A_836 = tpu.vector_load %arg5[%get3A_834, %get3A_835] {strides = array<i32>} : memref<2x512xi32, #tpu.memory_space<vmem>>, vector<1x16xi32>,
    %get3A_837 = vector.shape_cast %get3A_836 : vector<1x16xi32> to vector<16xi32>
    %shift_right_logical3A_838 = arith.constant 7 : i32
    %shift_right_logical3A_839 = vector.broadcast %shift_right_logical3A_838 : i32 to vector<16xi32>
    %shift_right_logical3A_840 = arith.shrui %get3A_837, %shift_right_logical3A_839 : vector<16xi32>
    %mul3A_841 = arith.constant 128000 : i32
    %mul3A_842 = vector.broadcast %mul3A_841 : i32 to vector<16xi32>
    %mul3A_843 = arith.muli %shift_right_logical3A_840, %mul3A_842 : vector<16xi32>
    %mul3A_844 = arith.constant 128 : i32
    %mul3A_845 = vector.broadcast %mul3A_844 : i32 to vector<16xi32>
    %mul3A_846 = arith.muli %get3A_832, %mul3A_845 : vector<16xi32>
    %add3A_847 = arith.addi %mul3A_843, %mul3A_846 : vector<16xi32>
    %and3A_848 = arith.constant 127 : i32
    %and3A_849 = vector.broadcast %and3A_848 : i32 to vector<16xi32>
    %and3A_850 = arith.andi %get3A_837, %and3A_849 : vector<16xi32>
    %add3A_851 = arith.addi %add3A_847, %and3A_850 : vector<16xi32>
    %swap3A_852 = arith.constant 464 : index
    %swap3A_853 = tpu.vector_load %arg6[%swap3A_852] {strides = array<i32>} : memref<512xi32, #tpu.memory_space<vmem>>, vector<16xi32>,
    %swap3A_854 = vector.shape_cast %swap3A_853 : vector<16xi32> to vector<16xi32>
    %swap3A_855 = vector.shape_cast %add3A_851 : vector<16xi32> to vector<16xi32>
    tpu.vector_store %arg6[%swap3A_852], %swap3A_855 {strides = array<i32>} : memref<512xi32, #tpu.memory_space<vmem>>, vector<16xi32>,
    %get3A_856 = arith.constant 0 : i32
    %get3A_857 = arith.index_cast %get3A_856 : i32 to index
    %get3A_858 = arith.constant 480 : index
    %get3A_859 = tpu.vector_load %arg5[%get3A_857, %get3A_858] {strides = array<i32>} : memref<2x512xi32, #tpu.memory_space<vmem>>, vector<1x16xi32>,
    %get3A_860 = vector.shape_cast %get3A_859 : vector<1x16xi32> to vector<16xi32>
    %get3A_861 = arith.constant 1 : i32
    %get3A_862 = arith.index_cast %get3A_861 : i32 to index
    %get3A_863 = arith.constant 480 : index
    %get3A_864 = tpu.vector_load %arg5[%get3A_862, %get3A_863] {strides = array<i32>} : memref<2x512xi32, #tpu.memory_space<vmem>>, vector<1x16xi32>,
    %get3A_865 = vector.shape_cast %get3A_864 : vector<1x16xi32> to vector<16xi32>
    %shift_right_logical3A_866 = arith.constant 7 : i32
    %shift_right_logical3A_867 = vector.broadcast %shift_right_logical3A_866 : i32 to vector<16xi32>
    %shift_right_logical3A_868 = arith.shrui %get3A_865, %shift_right_logical3A_867 : vector<16xi32>
    %mul3A_869 = arith.constant 128000 : i32
    %mul3A_870 = vector.broadcast %mul3A_869 : i32 to vector<16xi32>
    %mul3A_871 = arith.muli %shift_right_logical3A_868, %mul3A_870 : vector<16xi32>
    %mul3A_872 = arith.constant 128 : i32
    %mul3A_873 = vector.broadcast %mul3A_872 : i32 to vector<16xi32>
    %mul3A_874 = arith.muli %get3A_860, %mul3A_873 : vector<16xi32>
    %add3A_875 = arith.addi %mul3A_871, %mul3A_874 : vector<16xi32>
    %and3A_876 = arith.constant 127 : i32
    %and3A_877 = vector.broadcast %and3A_876 : i32 to vector<16xi32>
    %and3A_878 = arith.andi %get3A_865, %and3A_877 : vector<16xi32>
    %add3A_879 = arith.addi %add3A_875, %and3A_878 : vector<16xi32>
    %swap3A_880 = arith.constant 480 : index
    %swap3A_881 = tpu.vector_load %arg6[%swap3A_880] {strides = array<i32>} : memref<512xi32, #tpu.memory_space<vmem>>, vector<16xi32>,
    %swap3A_882 = vector.shape_cast %swap3A_881 : vector<16xi32> to vector<16xi32>
    %swap3A_883 = vector.shape_cast %add3A_879 : vector<16xi32> to vector<16xi32>
    tpu.vector_store %arg6[%swap3A_880], %swap3A_883 {strides = array<i32>} : memref<512xi32, #tpu.memory_space<vmem>>, vector<16xi32>,
    %get3A_884 = arith.constant 0 : i32
    %get3A_885 = arith.index_cast %get3A_884 : i32 to index
    %get3A_886 = arith.constant 496 : index
    %get3A_887 = tpu.vector_load %arg5[%get3A_885, %get3A_886] {strides = array<i32>} : memref<2x512xi32, #tpu.memory_space<vmem>>, vector<1x16xi32>,
    %get3A_888 = vector.shape_cast %get3A_887 : vector<1x16xi32> to vector<16xi32>
    %get3A_889 = arith.constant 1 : i32
    %get3A_890 = arith.index_cast %get3A_889 : i32 to index
    %get3A_891 = arith.constant 496 : index
    %get3A_892 = tpu.vector_load %arg5[%get3A_890, %get3A_891] {strides = array<i32>} : memref<2x512xi32, #tpu.memory_space<vmem>>, vector<1x16xi32>,
    %get3A_893 = vector.shape_cast %get3A_892 : vector<1x16xi32> to vector<16xi32>
    %shift_right_logical3A_894 = arith.constant 7 : i32
    %shift_right_logical3A_895 = vector.broadcast %shift_right_logical3A_894 : i32 to vector<16xi32>
    %shift_right_logical3A_896 = arith.shrui %get3A_893, %shift_right_logical3A_895 : vector<16xi32>
    %mul3A_897 = arith.constant 128000 : i32
    %mul3A_898 = vector.broadcast %mul3A_897 : i32 to vector<16xi32>
    %mul3A_899 = arith.muli %shift_right_logical3A_896, %mul3A_898 : vector<16xi32>
    %mul3A_900 = arith.constant 128 : i32
    %mul3A_901 = vector.broadcast %mul3A_900 : i32 to vector<16xi32>
    %mul3A_902 = arith.muli %get3A_888, %mul3A_901 : vector<16xi32>
    %add3A_903 = arith.addi %mul3A_899, %mul3A_902 : vector<16xi32>
    %and3A_904 = arith.constant 127 : i32
    %and3A_905 = vector.broadcast %and3A_904 : i32 to vector<16xi32>
    %and3A_906 = arith.andi %get3A_893, %and3A_905 : vector<16xi32>
    %add3A_907 = arith.addi %add3A_903, %and3A_906 : vector<16xi32>
    %swap3A_908 = arith.constant 496 : index
    %swap3A_909 = tpu.vector_load %arg6[%swap3A_908] {strides = array<i32>} : memref<512xi32, #tpu.memory_space<vmem>>, vector<16xi32>,
    %swap3A_910 = vector.shape_cast %swap3A_909 : vector<16xi32> to vector<16xi32>
    %swap3A_911 = vector.shape_cast %add3A_907 : vector<16xi32> to vector<16xi32>
    tpu.vector_store %arg6[%swap3A_908], %swap3A_911 {strides = array<i32>} : memref<512xi32, #tpu.memory_space<vmem>>, vector<16xi32>,
    %dma_start3A_912 = arith.constant 384 : i32
    %dma_start3A_913 = tpu.memref_slice %arg7[%dma_start3A_912] : memref<512xf32, #tpu.memory_space<vmem>> -> memref<128xf32, #tpu.memory_space<vmem>>
    %dma_start3A_914 = arith.constant 384 : i32
    %dma_start3A_915 = tpu.memref_slice %arg6[%dma_start3A_914] : memref<512xi32, #tpu.memory_space<vmem>> -> memref<128xi32, #tpu.memory_space<vmem>>
    %dma_start3A_916 = arith.constant 0 : i32
    %dma_start3A_917 = tpu.memref_slice %arg3[%dma_start3A_916] : memref<1024000xf32, #tpu.memory_space<hbm>> -> memref<1024000xf32, #tpu.memory_space<hbm>>
    tpu.enqueue_indirect_dma source(%dma_start3A_917 : memref<1024000xf32, #tpu.memory_space<hbm>>) target(%dma_start3A_913 : memref<128xf32, #tpu.memory_space<vmem>>) offsets(%dma_start3A_915 : memref<128xi32, #tpu.memory_space<vmem>>) semaphore(%arg8 : memref<!tpu.dma_semaphore, #tpu.memory_space<semaphore_mem>>)
    %dma_wait3A = arith.constant 0 : i32
    %dma_wait3A_918 = tpu.memref_slice %arg7[%dma_wait3A] : memref<512xf32, #tpu.memory_space<vmem>> -> memref<128xf32, #tpu.memory_space<vmem>>
    %dma_wait3A_919 = arith.constant 0 : i32
    %dma_wait3A_920 = tpu.memref_slice %arg6[%dma_wait3A_919] : memref<512xi32, #tpu.memory_space<vmem>> -> memref<128xi32, #tpu.memory_space<vmem>>
    %dma_wait3A_921 = arith.constant 0 : i32
    %dma_wait3A_922 = tpu.memref_slice %arg3[%dma_wait3A_921] : memref<1024000xf32, #tpu.memory_space<hbm>> -> memref<1024000xf32, #tpu.memory_space<hbm>>
    tpu.wait_indirect_dma semaphore(%arg8 : memref<!tpu.dma_semaphore, #tpu.memory_space<semaphore_mem>>) src(%dma_wait3A_922 : memref<1024000xf32, #tpu.memory_space<hbm>>) dst(%dma_wait3A_918 : memref<128xf32, #tpu.memory_space<vmem>>)
    %dma_wait3A_923 = arith.constant 128 : i32
    %dma_wait3A_924 = tpu.memref_slice %arg7[%dma_wait3A_923] : memref<512xf32, #tpu.memory_space<vmem>> -> memref<128xf32, #tpu.memory_space<vmem>>
    %dma_wait3A_925 = arith.constant 128 : i32
    %dma_wait3A_926 = tpu.memref_slice %arg6[%dma_wait3A_925] : memref<512xi32, #tpu.memory_space<vmem>> -> memref<128xi32, #tpu.memory_space<vmem>>
    %dma_wait3A_927 = arith.constant 0 : i32
    %dma_wait3A_928 = tpu.memref_slice %arg3[%dma_wait3A_927] : memref<1024000xf32, #tpu.memory_space<hbm>> -> memref<1024000xf32, #tpu.memory_space<hbm>>
    tpu.wait_indirect_dma semaphore(%arg8 : memref<!tpu.dma_semaphore, #tpu.memory_space<semaphore_mem>>) src(%dma_wait3A_928 : memref<1024000xf32, #tpu.memory_space<hbm>>) dst(%dma_wait3A_924 : memref<128xf32, #tpu.memory_space<vmem>>)
    %dma_wait3A_929 = arith.constant 256 : i32
    %dma_wait3A_930 = tpu.memref_slice %arg7[%dma_wait3A_929] : memref<512xf32, #tpu.memory_space<vmem>> -> memref<128xf32, #tpu.memory_space<vmem>>
    %dma_wait3A_931 = arith.constant 256 : i32
    %dma_wait3A_932 = tpu.memref_slice %arg6[%dma_wait3A_931] : memref<512xi32, #tpu.memory_space<vmem>> -> memref<128xi32, #tpu.memory_space<vmem>>
    %dma_wait3A_933 = arith.constant 0 : i32
    %dma_wait3A_934 = tpu.memref_slice %arg3[%dma_wait3A_933] : memref<1024000xf32, #tpu.memory_space<hbm>> -> memref<1024000xf32, #tpu.memory_space<hbm>>
    tpu.wait_indirect_dma semaphore(%arg8 : memref<!tpu.dma_semaphore, #tpu.memory_space<semaphore_mem>>) src(%dma_wait3A_934 : memref<1024000xf32, #tpu.memory_space<hbm>>) dst(%dma_wait3A_930 : memref<128xf32, #tpu.memory_space<vmem>>)
    %dma_wait3A_935 = arith.constant 384 : i32
    %dma_wait3A_936 = tpu.memref_slice %arg7[%dma_wait3A_935] : memref<512xf32, #tpu.memory_space<vmem>> -> memref<128xf32, #tpu.memory_space<vmem>>
    %dma_wait3A_937 = arith.constant 384 : i32
    %dma_wait3A_938 = tpu.memref_slice %arg6[%dma_wait3A_937] : memref<512xi32, #tpu.memory_space<vmem>> -> memref<128xi32, #tpu.memory_space<vmem>>
    %dma_wait3A_939 = arith.constant 0 : i32
    %dma_wait3A_940 = tpu.memref_slice %arg3[%dma_wait3A_939] : memref<1024000xf32, #tpu.memory_space<hbm>> -> memref<1024000xf32, #tpu.memory_space<hbm>>
    tpu.wait_indirect_dma semaphore(%arg8 : memref<!tpu.dma_semaphore, #tpu.memory_space<semaphore_mem>>) src(%dma_wait3A_940 : memref<1024000xf32, #tpu.memory_space<hbm>>) dst(%dma_wait3A_936 : memref<128xf32, #tpu.memory_space<vmem>>)
    %mul3A_941 = arith.constant 512 : i32
    %mul3A_942 = arith.muli %add3A, %mul3A_941 : i32
    "tpu.region"() ({
      %run_scoped3A = tpu.sem_alloc : memref<!tpu.dma_semaphore, #tpu.memory_space<semaphore_mem>>
      %dma_start3A_943 = tpu.memref_slice %arg4[%mul3A_942] : memref<16384xf32, #tpu.memory_space<hbm>> -> memref<512xf32, #tpu.memory_space<hbm>>
      %dma_start3A_944 = tpu.memref_slice %arg4[%mul3A_942] : memref<16384xf32, #tpu.memory_space<hbm>> -> memref<512xf32, #tpu.memory_space<hbm>>
      tpu.enqueue_dma source(%arg7 : memref<512xf32, #tpu.memory_space<vmem>>) target(%dma_start3A_944 : memref<512xf32, #tpu.memory_space<hbm>>) target_semaphore(%run_scoped3A : memref<!tpu.dma_semaphore, #tpu.memory_space<semaphore_mem>>)
      %dma_wait3A_945 = tpu.memref_slice %arg4[%mul3A_942] : memref<16384xf32, #tpu.memory_space<hbm>> -> memref<512xf32, #tpu.memory_space<hbm>>
      %dma_wait3A_946 = tpu.memref_slice %arg4[%mul3A_942] : memref<16384xf32, #tpu.memory_space<hbm>> -> memref<512xf32, #tpu.memory_space<hbm>>
      tpu.wait_dma2 semaphore(%run_scoped3A : memref<!tpu.dma_semaphore, #tpu.memory_space<semaphore_mem>>) src(%arg7 : memref<512xf32, #tpu.memory_space<vmem>>) dst(%dma_wait3A_946 : memref<512xf32, #tpu.memory_space<hbm>>)
      tpu.yield
    }) : () -> ()
    return
  }
}

module attributes {stable_mosaic.version = 14 : i64} {
  func.func @_mm_body(%arg0: memref<64x1000xf32, #tpu.memory_space<vmem>>, %arg1: memref<64x1000xf32, #tpu.memory_space<vmem>>, %arg2: memref<8x1000x128xf32, #tpu.memory_space<vmem>>) attributes {dimension_semantics = [], scalar_prefetch = 0 : i64, scratch_operands = 0 : i64, tpu.core_type = #tpu.core_type<tc>} {
    %get3A = arith.constant 0 : index
    %get3A_0 = arith.constant 0 : index
    %get3A_1 = vector.load %arg0[%get3A, %get3A_0] : memref<64x1000xf32, #tpu.memory_space<vmem>>, vector<64x1000xf32>
    %get3A_2 = arith.constant 0 : index
    %get3A_3 = arith.constant 0 : index
    %get3A_4 = vector.load %arg1[%get3A_2, %get3A_3] : memref<64x1000xf32, #tpu.memory_space<vmem>>, vector<64x128xf32>
    %dot_general3A = arith.constant dense<0.000000e+00> : vector<1000x128xf32>
    %dot_general3A_5 = tpu.matmul %get3A_1, %get3A_4, %dot_general3A {dimension_numbers = #tpu.dot_dimension_numbers<[0], [0], [1], [1], [0, 1, 1, 1], [], []>, transpose_lhs_hint = false} : vector<64x1000xf32>, vector<64x128xf32>, vector<1000x128xf32> -> vector<1000x128xf32>
    %swap3A = arith.constant 0 : index
    %swap3A_6 = arith.constant 0 : index
    %swap3A_7 = arith.constant 0 : index
    %swap3A_8 = vector.load %arg2[%swap3A, %swap3A_6, %swap3A_7] : memref<8x1000x128xf32, #tpu.memory_space<vmem>>, vector<1x1000x128xf32>
    %swap3A_9 = vector.shape_cast %swap3A_8 : vector<1x1000x128xf32> to vector<1000x128xf32>
    %swap3A_10 = vector.shape_cast %dot_general3A_5 : vector<1000x128xf32> to vector<1x1000x128xf32>
    tpu.vector_store %arg2[%swap3A, %swap3A_6, %swap3A_7], %swap3A_10 {strides = array<i32>} : memref<8x1000x128xf32, #tpu.memory_space<vmem>>, vector<1x1000x128xf32>,
    %get3A_11 = arith.constant 0 : index
    %get3A_12 = arith.constant 128 : index
    %get3A_13 = vector.load %arg1[%get3A_11, %get3A_12] : memref<64x1000xf32, #tpu.memory_space<vmem>>, vector<64x128xf32>
    %dot_general3A_14 = arith.constant dense<0.000000e+00> : vector<1000x128xf32>
    %dot_general3A_15 = tpu.matmul %get3A_1, %get3A_13, %dot_general3A_14 {dimension_numbers = #tpu.dot_dimension_numbers<[0], [0], [1], [1], [0, 1, 1, 1], [], []>, transpose_lhs_hint = false} : vector<64x1000xf32>, vector<64x128xf32>, vector<1000x128xf32> -> vector<1000x128xf32>
    %swap3A_16 = arith.constant 1 : index
    %swap3A_17 = arith.constant 0 : index
    %swap3A_18 = arith.constant 0 : index
    %swap3A_19 = vector.load %arg2[%swap3A_16, %swap3A_17, %swap3A_18] : memref<8x1000x128xf32, #tpu.memory_space<vmem>>, vector<1x1000x128xf32>
    %swap3A_20 = vector.shape_cast %swap3A_19 : vector<1x1000x128xf32> to vector<1000x128xf32>
    %swap3A_21 = vector.shape_cast %dot_general3A_15 : vector<1000x128xf32> to vector<1x1000x128xf32>
    tpu.vector_store %arg2[%swap3A_16, %swap3A_17, %swap3A_18], %swap3A_21 {strides = array<i32>} : memref<8x1000x128xf32, #tpu.memory_space<vmem>>, vector<1x1000x128xf32>,
    %get3A_22 = arith.constant 0 : index
    %get3A_23 = arith.constant 256 : index
    %get3A_24 = vector.load %arg1[%get3A_22, %get3A_23] : memref<64x1000xf32, #tpu.memory_space<vmem>>, vector<64x128xf32>
    %dot_general3A_25 = arith.constant dense<0.000000e+00> : vector<1000x128xf32>
    %dot_general3A_26 = tpu.matmul %get3A_1, %get3A_24, %dot_general3A_25 {dimension_numbers = #tpu.dot_dimension_numbers<[0], [0], [1], [1], [0, 1, 1, 1], [], []>, transpose_lhs_hint = false} : vector<64x1000xf32>, vector<64x128xf32>, vector<1000x128xf32> -> vector<1000x128xf32>
    %swap3A_27 = arith.constant 2 : index
    %swap3A_28 = arith.constant 0 : index
    %swap3A_29 = arith.constant 0 : index
    %swap3A_30 = vector.load %arg2[%swap3A_27, %swap3A_28, %swap3A_29] : memref<8x1000x128xf32, #tpu.memory_space<vmem>>, vector<1x1000x128xf32>
    %swap3A_31 = vector.shape_cast %swap3A_30 : vector<1x1000x128xf32> to vector<1000x128xf32>
    %swap3A_32 = vector.shape_cast %dot_general3A_26 : vector<1000x128xf32> to vector<1x1000x128xf32>
    tpu.vector_store %arg2[%swap3A_27, %swap3A_28, %swap3A_29], %swap3A_32 {strides = array<i32>} : memref<8x1000x128xf32, #tpu.memory_space<vmem>>, vector<1x1000x128xf32>,
    %get3A_33 = arith.constant 0 : index
    %get3A_34 = arith.constant 384 : index
    %get3A_35 = vector.load %arg1[%get3A_33, %get3A_34] : memref<64x1000xf32, #tpu.memory_space<vmem>>, vector<64x128xf32>
    %dot_general3A_36 = arith.constant dense<0.000000e+00> : vector<1000x128xf32>
    %dot_general3A_37 = tpu.matmul %get3A_1, %get3A_35, %dot_general3A_36 {dimension_numbers = #tpu.dot_dimension_numbers<[0], [0], [1], [1], [0, 1, 1, 1], [], []>, transpose_lhs_hint = false} : vector<64x1000xf32>, vector<64x128xf32>, vector<1000x128xf32> -> vector<1000x128xf32>
    %swap3A_38 = arith.constant 3 : index
    %swap3A_39 = arith.constant 0 : index
    %swap3A_40 = arith.constant 0 : index
    %swap3A_41 = vector.load %arg2[%swap3A_38, %swap3A_39, %swap3A_40] : memref<8x1000x128xf32, #tpu.memory_space<vmem>>, vector<1x1000x128xf32>
    %swap3A_42 = vector.shape_cast %swap3A_41 : vector<1x1000x128xf32> to vector<1000x128xf32>
    %swap3A_43 = vector.shape_cast %dot_general3A_37 : vector<1000x128xf32> to vector<1x1000x128xf32>
    tpu.vector_store %arg2[%swap3A_38, %swap3A_39, %swap3A_40], %swap3A_43 {strides = array<i32>} : memref<8x1000x128xf32, #tpu.memory_space<vmem>>, vector<1x1000x128xf32>,
    %get3A_44 = arith.constant 0 : index
    %get3A_45 = arith.constant 512 : index
    %get3A_46 = vector.load %arg1[%get3A_44, %get3A_45] : memref<64x1000xf32, #tpu.memory_space<vmem>>, vector<64x128xf32>
    %dot_general3A_47 = arith.constant dense<0.000000e+00> : vector<1000x128xf32>
    %dot_general3A_48 = tpu.matmul %get3A_1, %get3A_46, %dot_general3A_47 {dimension_numbers = #tpu.dot_dimension_numbers<[0], [0], [1], [1], [0, 1, 1, 1], [], []>, transpose_lhs_hint = false} : vector<64x1000xf32>, vector<64x128xf32>, vector<1000x128xf32> -> vector<1000x128xf32>
    %swap3A_49 = arith.constant 4 : index
    %swap3A_50 = arith.constant 0 : index
    %swap3A_51 = arith.constant 0 : index
    %swap3A_52 = vector.load %arg2[%swap3A_49, %swap3A_50, %swap3A_51] : memref<8x1000x128xf32, #tpu.memory_space<vmem>>, vector<1x1000x128xf32>
    %swap3A_53 = vector.shape_cast %swap3A_52 : vector<1x1000x128xf32> to vector<1000x128xf32>
    %swap3A_54 = vector.shape_cast %dot_general3A_48 : vector<1000x128xf32> to vector<1x1000x128xf32>
    tpu.vector_store %arg2[%swap3A_49, %swap3A_50, %swap3A_51], %swap3A_54 {strides = array<i32>} : memref<8x1000x128xf32, #tpu.memory_space<vmem>>, vector<1x1000x128xf32>,
    %get3A_55 = arith.constant 0 : index
    %get3A_56 = arith.constant 640 : index
    %get3A_57 = vector.load %arg1[%get3A_55, %get3A_56] : memref<64x1000xf32, #tpu.memory_space<vmem>>, vector<64x128xf32>
    %dot_general3A_58 = arith.constant dense<0.000000e+00> : vector<1000x128xf32>
    %dot_general3A_59 = tpu.matmul %get3A_1, %get3A_57, %dot_general3A_58 {dimension_numbers = #tpu.dot_dimension_numbers<[0], [0], [1], [1], [0, 1, 1, 1], [], []>, transpose_lhs_hint = false} : vector<64x1000xf32>, vector<64x128xf32>, vector<1000x128xf32> -> vector<1000x128xf32>
    %swap3A_60 = arith.constant 5 : index
    %swap3A_61 = arith.constant 0 : index
    %swap3A_62 = arith.constant 0 : index
    %swap3A_63 = vector.load %arg2[%swap3A_60, %swap3A_61, %swap3A_62] : memref<8x1000x128xf32, #tpu.memory_space<vmem>>, vector<1x1000x128xf32>
    %swap3A_64 = vector.shape_cast %swap3A_63 : vector<1x1000x128xf32> to vector<1000x128xf32>
    %swap3A_65 = vector.shape_cast %dot_general3A_59 : vector<1000x128xf32> to vector<1x1000x128xf32>
    tpu.vector_store %arg2[%swap3A_60, %swap3A_61, %swap3A_62], %swap3A_65 {strides = array<i32>} : memref<8x1000x128xf32, #tpu.memory_space<vmem>>, vector<1x1000x128xf32>,
    %get3A_66 = arith.constant 0 : index
    %get3A_67 = arith.constant 768 : index
    %get3A_68 = vector.load %arg1[%get3A_66, %get3A_67] : memref<64x1000xf32, #tpu.memory_space<vmem>>, vector<64x128xf32>
    %dot_general3A_69 = arith.constant dense<0.000000e+00> : vector<1000x128xf32>
    %dot_general3A_70 = tpu.matmul %get3A_1, %get3A_68, %dot_general3A_69 {dimension_numbers = #tpu.dot_dimension_numbers<[0], [0], [1], [1], [0, 1, 1, 1], [], []>, transpose_lhs_hint = false} : vector<64x1000xf32>, vector<64x128xf32>, vector<1000x128xf32> -> vector<1000x128xf32>
    %swap3A_71 = arith.constant 6 : index
    %swap3A_72 = arith.constant 0 : index
    %swap3A_73 = arith.constant 0 : index
    %swap3A_74 = vector.load %arg2[%swap3A_71, %swap3A_72, %swap3A_73] : memref<8x1000x128xf32, #tpu.memory_space<vmem>>, vector<1x1000x128xf32>
    %swap3A_75 = vector.shape_cast %swap3A_74 : vector<1x1000x128xf32> to vector<1000x128xf32>
    %swap3A_76 = vector.shape_cast %dot_general3A_70 : vector<1000x128xf32> to vector<1x1000x128xf32>
    tpu.vector_store %arg2[%swap3A_71, %swap3A_72, %swap3A_73], %swap3A_76 {strides = array<i32>} : memref<8x1000x128xf32, #tpu.memory_space<vmem>>, vector<1x1000x128xf32>,
    %get3A_77 = arith.constant 0 : index
    %get3A_78 = arith.constant 896 : index
    %get3A_79 = vector.load %arg1[%get3A_77, %get3A_78] : memref<64x1000xf32, #tpu.memory_space<vmem>>, vector<64x104xf32>
    %dot_general3A_80 = arith.constant dense<0.000000e+00> : vector<1000x104xf32>
    %dot_general3A_81 = tpu.matmul %get3A_1, %get3A_79, %dot_general3A_80 {dimension_numbers = #tpu.dot_dimension_numbers<[0], [0], [1], [1], [0, 1, 1, 1], [], []>, transpose_lhs_hint = false} : vector<64x1000xf32>, vector<64x104xf32>, vector<1000x104xf32> -> vector<1000x104xf32>
    %jit3A = arith.constant 0 : i32
    %convert_element_type3A = arith.sitofp %jit3A : i32 to f32
    %pad3A = vector.broadcast %convert_element_type3A : f32 to vector<1000x24xf32>
    %pad3A_82 = tpu.concatenate %dot_general3A_81, %pad3A in 1 : vector<1000x104xf32>, vector<1000x24xf32> -> vector<1000x128xf32>
    %swap3A_83 = arith.constant 7 : index
    %swap3A_84 = arith.constant 0 : index
    %swap3A_85 = arith.constant 0 : index
    %swap3A_86 = vector.load %arg2[%swap3A_83, %swap3A_84, %swap3A_85] : memref<8x1000x128xf32, #tpu.memory_space<vmem>>, vector<1x1000x128xf32>
    %swap3A_87 = vector.shape_cast %swap3A_86 : vector<1x1000x128xf32> to vector<1000x128xf32>
    %swap3A_88 = vector.shape_cast %pad3A_82 : vector<1000x128xf32> to vector<1x1000x128xf32>
    tpu.vector_store %arg2[%swap3A_83, %swap3A_84, %swap3A_85], %swap3A_88 {strides = array<i32>} : memref<8x1000x128xf32, #tpu.memory_space<vmem>>, vector<1x1000x128xf32>,
    return
  }
}

</mosaic_0001>

<sc_bundles>
// kernel: kernel.4.cloned.1.call-start
scs
__scs_entry_jumppad:
0x0: {  	(pc) =	sbr.rel $0x88, $3  }
0x1: {  	(tag) =	ssettag $0x0;
	lr =	simm.s32 $0x1  }
0x2: {  	[smem:$0x3F9E] =	sst lr;
	_ =	strace $0xD0000000  }
0x3: {  	_ = 	snop  }
0x4: {  	_ = 	snop  }
0x5: {  	_ = 	snop  }
0x6: {  	_ = 	snop  }
0x7: {  	_ = 	snop  }
__scs_overlays_trampoline_lowered:
0x8: {  	[smem:$0x3FAD] =	sst s0  }
0x9: {  	[smem:$0x3FAE] =	sst s1  }
0xa: {  	[smem:$0x3FAF] =	sst s2  }
0xb: {  	[smem:$0x3FB0] =	sst s3  }
0xc: {  	[smem:$0x3FB1] =	sst s4  }
0xd: {  	[smem:$0x3FB2] =	sst s5  }
0xe: {  	[smem:$0x3FB3] =	sst s6  }
0xf: {  	[smem:$0x3FB4] =	sst s7  }
0x10: {  	[smem:$0x3FB5] =	sst s8  }
0x11: {  	[smem:$0x3FB6] =	sst s9;
	s0 =	simm.s32 @!p0 $0x0  }
0x12: {  	s1 =	sld [smem:$0x3F9C];
	s0 =	simm.s32 @p0 $0x1  }
0x13: {  	[smem:$0x3FB7] =	sst s0;
	s0 =	simm.s32 @!p1 $0x0  }
0x14: {  	s2 =	sld [smem:$0x3F9B];
	s0 =	simm.s32 @p1 $0x1  }
0x15: {  	[smem:$0x3FB8] =	sst s0;
	s0 =	simm.s32 @!p2 $0x0  }
0x16: {  	s3 =	sld [smem:$0x3FDB];
	s0 =	simm.s32 @p2 $0x1  }
0x17: {  	s4 =	simm.s32 $0x1BF5;
	[smem:$0x3FBA] =	sst s0  }
0x18: {  	s0 =	sld [smem:$0x3F9D];
	_ =	swait.ge [sflag:s4], $0x0  }
0x19: {  	s7 =	sld [smem:$0x3F9E]  }
0x1a: {  	s8 =	sadd.s32 $0xFFFFE003, lr  }
0x1b: {  	s9 =	sadd.s32 $0xFFFFFEF7, lr;
	s5 =	simm.s32 $0xFFFFFFFF;
	p2 =	slt.u32 s8, $0xFFFFF086  }
0x1c: {  	p1 =	slt.u32 s9, $0xF7A;
	s5 =	simm.s32 @!p2 $0x0  }
0x1d: {  	s5 =	simm.s32 @p1 $0x1;
	p0 =	seq.s32 s7, s2  }
0x1e: {  	s7 =	smul.u32 @!p0 $0xF7A, s2;
	p2 =	seq.s32 @!p0 s5, $0x0  }
0x1f: {  	s9 =	smul.u32 $0xF7A, s1;
	s8 =	simm.s32 @!p0 $0x1BF5;
	p2 =	por !p2, p0  }
0x20: {  	[sflag:s8] =	ssyncset.s32 @!p0 $0xFFFFF086;
	s6 =	sadd.s32 @!p0 s3, s7;
	s7 =	simm.s32 @!p0 $0x108  }
0x21: {  	s3 =	sadd.s32 s3, s9;
	s6 =	sadd.s32 @!p0 $0x88, s6;
	s7 =	simm.s32 @p2 $0x1082  }
0x22: {  	[simem:s7], [sflag:s8] =	dma.local @!p0 [hbm:s6], $0xF7A  }
0x23: {  	s9 =	sor.u32 $0xD0000000, s2;
	s6 =	simm.s32 $0x108;
	_ =	swait.ge @!p0 [sflag:s8], $0x0  }
0x24: {  	s3 =	sadd.s32 $0x88, s3;
	s6 =	simm.s32 @!p1 $0x1082;
	[sflag:s4] =	ssyncset.s32 $0xFFFFF086  }
0x25: {  	[simem:s6], [sflag:s4] =	dma.local [hbm:s3], $0xF7A  }
0x26: {  	[smem:$0x3F9E] =	sst s1;
	(tag) =	ssettag s2;
	_ =	strace s9  }
0x27: {  	s1 =	sld [smem:$0x3FAE]  }
0x28: {  	s2 =	sld [smem:$0x3FAF]  }
0x29: {  	s4 =	sld [smem:$0x3FB1]  }
0x2a: {  	p0 =	seq.s32 s5, $0x0;
	s5 =	sld [smem:$0x3FB2]  }
0x2b: {  	s6 =	sld [smem:$0x3FB3]  }
0x2c: {  	s7 =	sld [smem:$0x3FB4]  }
0x2d: {  	s3 =	simm.s32 $0x108;
	s8 =	sld [smem:$0x3FB5]  }
0x2e: {  	s3 =	simm.s32 @!p0 $0x1082;
	s9 =	sld [smem:$0x3FB6]  }
0x2f: {  	lr =	sadd.s32 s0, s3;
	s0 =	sld [smem:$0x3FAD]  }
0x30: {  	s3 =	sld [smem:$0x3FB0]  }
0x31: {  	[smem:$0x3FB9] =	sst s10  }
0x32: {  	s10 =	sld [smem:$0x3FB7];
	_ =	sdelay $0x3  }
0x33: {  	p0 =	seq.s32 s10, $0x1;
	s10 =	sld [smem:$0x3FB9];
	_ =	sdelay $0x3  }
0x34: {  	[smem:$0x3FB9] =	sst s10  }
0x35: {  	s10 =	sld [smem:$0x3FB8];
	_ =	sdelay $0x3  }
0x36: {  	p1 =	seq.s32 s10, $0x1;
	s10 =	sld [smem:$0x3FB9];
	_ =	sdelay $0x3  }
0x37: {  	[smem:$0x3FB9] =	sst s10  }
0x38: {  	s10 =	sld [smem:$0x3FBA]  }
0x39: {  	_ = 	snop;
	(pc) =	sbr.ind lr, $3  }
0x3a: {  	_ = 	snop  }
0x3b: {  	_ = 	snop  }
0x3c: {  	p2 =	seq.s32 s10, $0x1;
	s10 =	sld [smem:$0x3FB9]  }
0x3d: {  	_ =	shalt  }
0x3e: {  	_ =	shalt  }
0x3f: {  	_ =	shalt  }
0x40: {  	_ =	shalt  }
0x41: {  	_ =	shalt  }
0x42: {  	_ =	shalt  }
0x43: {  	_ =	shalt  }
0x44: {  	_ =	shalt  }
0x45: {  	_ =	shalt  }
0x46: {  	_ =	shalt  }
0x47: {  	_ =	shalt  }
0x48: {  	_ =	shalt  }
0x49: {  	_ =	shalt  }
0x4a: {  	_ =	shalt  }
0x4b: {  	_ =	shalt  }
0x4c: {  	_ =	shalt  }
0x4d: {  	_ =	shalt  }
0x4e: {  	_ =	shalt  }
0x4f: {  	_ =	shalt  }
0x50: {  	_ =	shalt  }
0x51: {  	_ =	shalt  }
0x52: {  	_ =	shalt  }
0x53: {  	_ =	shalt  }
0x54: {  	_ =	shalt  }
0x55: {  	_ =	shalt  }
0x56: {  	_ =	shalt  }
0x57: {  	_ =	shalt  }
0x58: {  	_ =	shalt  }
0x59: {  	_ =	shalt  }
0x5a: {  	_ =	shalt  }
0x5b: {  	_ =	shalt  }
0x5c: {  	_ =	shalt  }
0x5d: {  	_ =	shalt  }
0x5e: {  	_ =	shalt  }
0x5f: {  	_ =	shalt  }
0x60: {  	_ =	shalt  }
0x61: {  	_ =	shalt  }
0x62: {  	_ =	shalt  }
0x63: {  	_ =	shalt  }
0x64: {  	_ =	shalt  }
0x65: {  	_ =	shalt  }
0x66: {  	_ =	shalt  }
0x67: {  	_ =	shalt  }
0x68: {  	_ =	shalt  }
0x69: {  	_ =	shalt  }
0x6a: {  	_ =	shalt  }
0x6b: {  	_ =	shalt  }
0x6c: {  	_ =	shalt  }
0x6d: {  	_ =	shalt  }
0x6e: {  	_ =	shalt  }
0x6f: {  	_ =	shalt  }
0x70: {  	_ =	shalt  }
0x71: {  	_ =	shalt  }
0x72: {  	_ =	shalt  }
0x73: {  	_ =	shalt  }
0x74: {  	_ =	shalt  }
0x75: {  	_ =	shalt  }
0x76: {  	_ =	shalt  }
0x77: {  	_ =	shalt  }
0x78: {  	_ =	shalt  }
0x79: {  	_ =	shalt  }
0x7a: {  	_ =	shalt  }
0x7b: {  	_ =	shalt  }
0x7c: {  	_ =	shalt  }
0x7d: {  	_ =	shalt  }
0x7e: {  	_ =	shalt  }
0x7f: {  	_ =	shalt  }
0x80: {  	_ =	shalt  }
0x81: {  	_ =	shalt  }
0x82: {  	_ =	shalt  }
0x83: {  	_ =	shalt  }
0x84: {  	_ =	shalt  }
0x85: {  	_ =	shalt  }
0x86: {  	_ =	shalt  }
0x87: {  	_ =	shalt  }
.Lfunc_end0:
.L_simem_size_0:
called_computation_lowered:
.L_overlay_start_0:
0x88: {  	s2 =	sld [smem:$0x3FD9]  }
0x89: {  	s3 =	sld [smem:$0x3FFE];
	_ =	sdelay $0x1  }
0x8a: {  	s1 =	srdreg.scid  }
0x8b: {  	s0 =	sand.u32 $0x1, s1  }
0x8c: {  	s17 =	sshll.u32 s0, $0xA;
	s2 =	sadd.s32 s3, s2  }
0x8d: {  	s2 =	sadd.s32 s2, s17  }
0x8e: {  	[smem:$0x3FC5] =	sst s2  }
0x8f: {  	_ = 	snop  }
0x90: {  	s2 =	sld [smem:$0x3FC9]  }
0x91: {  	s18 =	sld [smem:$0x3FD0];
	(tm) =	ssettm $0x1  }
0x92: {  	s4 =	sld [smem:$0x3FFB];
	_ =	sdelay $0x3  }
0x93: {  	_ =	strace s4  }
0x94: {  	s4 =	sld [smem:$0x3FFC];
	_ =	sdelay $0x3  }
0x95: {  	_ =	strace s4  }
0x96: {  	s4 =	sld [smem:$0x3FFD];
	_ =	sdelay $0x3  }
0x97: {  	_ =	strace s4  }
0x98: {  	_ =	strace $0x8FFFFFFF  }
0x99: {  	s19 =	sld [smem:$0x3FDB];
	_ =	sdelay $0x1  }
0x9a: {  	s5 =	simm.s32 $_scs_section_size  }
0x9b: {  	s6 =	simm.s32 $_size__tile_overlayer_lowered;
	s7 =	simm.s32 $_tile_overlayer_lowered  }
0x9c: {  	s22 =	simm.s32 $0x1BFF;
	s21 =	sshll.u32 s7, $0x1;
	s4 =	sadd.s32 s5, s19  }
0x9d: {  	s8 =	simm.s32 $0x0;
	s20 =	sshll.u32 s6, $0x1;
	s6 =	sadd.s32 s21, s4  }
0x9e: {  	[timem:s8], [sflag:s22] =	dma.local [hbm:s6], s20  }
0x9f: {  	_ =	swait.ge [sflag:s22], s20  }
0xa0: {  	s5 =	ssub.s32 $0x0, s20;
	[sflag:s22] =	ssyncset.done $0x0  }
0xa1: {  	[sflag:s22] =	ssyncadd.s32 s5;
	_ =	sdelay $0x1  }
0xa2: {  	s23 =	simm.s32 $0x1B8B  }
0xa3: {  	_ =	swait.ge [sflag:s23], $0x1  }
0xa4: {  	[sflag:s23] =	ssyncset.done $0x0  }
0xa5: {  	s25 =	simm.s32 $0x1B8E;
	s24 =	sld [smem:$0x3FFE];
	[sflag:s23] =	ssyncadd.s32 $0xFFFFFFFF  }
0xa6: {  	s26 =	simm.s32 $execute0_lowered;
	[smem:$0x3FD2] =	sst s25  }
0xa7: {  	s6 =	sshll.u32 s26, $0x1;
	_ =	strace $0x80000046;
	[dreg:$0x1] =	wrdreg $0xFFFFFFFF  }
0xa8: {  	s28 =	simm.s32 $_size_execute0_lowered;
	s4 =	sadd.s32 s4, s6;
	[dreg:$0x0] =	wrdreg $0x0  }
0xa9: {  	s6 =	sshll.u32 s28, $0x1;
	[dreg:$0x2] =	wrdreg s4  }
0xaa: {  	[dreg:$0x3] =	wrdreg s6  }
0xab: {  	[dreg:$0x4] =	wrdreg $0xC0  }
0xac: {  	_ =	task [dreg:s8], $0x5FFFF  }
0xad: {  	[dreg:$0x1] =	wrdreg $0xFFFFFFFF  }
0xae: {  	[dreg:$0x0] =	wrdreg $0x60  }
0xaf: {  	[dreg:$0x2] =	wrdreg s2  }
0xb0: {  	[dreg:$0x3] =	wrdreg s24  }
0xb1: {  	[dreg:$0x4] =	wrdreg s18  }
0xb2: {  	[dreg:$0x5] =	wrdreg $0x9  }
0xb3: {  	_ =	task.clear_ibuf [dreg:s8], $0x6FFFF;
	_ =	strace $0x90000046  }
0xb4: {  	s29 =	simm.s32 $0x9;
	_ =	strace $0x80000048  }
0xb5: {  	_ =	swait.ge [sflag:s29], $0x1  }
0xb6: {  	[sflag:s29] =	ssyncadd.s32 $0xFFFFFFFF  }
0xb7: {  	_ =	strace $0x90000048  }
0xb8: {  	_ =	sfence  }
0xb9: {  	s30 =	sld [smem:$0x0];
	_ =	sdelay $0x2  }
0xba: {  	s31 =	sshll.u32 s1, $0xD;
	s1 =	sshrl.u32 s1, $0x2  }
0xbb: {  	s3 =	sand.u32 $0x4000, s31;
	s1 =	sadd.s32 s1, s30  }
0xbc: {  	s0 =	sor.u32 s3, s0;
	s1 =	sshll.u32 s1, $0x11  }
0xbd: {  	s0 =	sor.u32 s1, s0  }
0xbe: {  	s0 =	sadd.s32 $0x8F2B, s0  }
0xbf: {  	[sflag:s0] =	ssyncadd.remote.s32 $0x1  }
0xc0: {  	_ =	sfence.sel $0xFFFF  }
0xc1: {  	[dreg:$0x0] =	wrdreg $0xFFFFFFFF;
	(pc) =	sbr.abs _section_cstart, $3  }
0xc2: {  	[dreg:$0x1] =	wrdreg $0xFFFFFFFF  }
0xc3: {  	_ =	task.clear_ibuf [dreg:s8], $0x2FFFF;
	_ =	strace $0x9FFFFFFF  }
0xc4: {  	(tm) =	ssettm $0x7FFFFFFF  }
0xc5: {  	_ =	shalt  }
tec
execute0_lowered:
.L_overlay_start_1:
0x0: {  	(tag) =	ssettag $0x1  }
0x1: {  	s4 =	rddreg [dreg:$0x0]  }
0x2: {  	s3 =	rddreg [dreg:$0x1]  }
0x3: {  	s5 =	rddreg [dreg:$0x2]  }
0x4: {  	s0 =	rddreg [dreg:$0x3];
	s2 =	simm.s32 $0x0;
	s6 =	srdreg.scid  }
0x5: {  	s1 =	stileid.u32;
	s10 =	simm.s32 $0x600;
	s11 =	simm.s32 $0x480  }
0x6: {  	s12 =	simm.s32 $0x680;
	s13 =	simm.s32 $0x500;
	s14 =	simm.s32 $0x700  }
0x7: {  	s15 =	simm.s32 $0x580;
	s16 =	simm.s32 $0x780;
	s17 =	simm.s32 $0x1  }
0x8: {  	[smem:$0x7FF] =	sst s2;
	s6 =	sand.u32 $0x1, s6;
	s7 =	sshll.u32 s1, $0xA  }
0x9: {  	s3 =	sadd.s32 $0x800, s3;
	s8 =	sshll.u32 s6, $0x9;
	s6 =	ssub.s32 $0x2, s6  }
0xa: {  	_ =	strace $0x80000047;
	s7 =	sor.u32 s8, s7;
	s31 =	sshrl.u32 s6, $0x1  }
0xb: {  	s8 =	simm.s32 $0x80;
	s9 =	sshrl.u32 s7, $0x2;
	s7 =	sshrl.u32 s7, $0x3  }
0xc: {  	s6 =	ssub.s32 s6, s31;
	s4 =	sadd.s32 s4, s9;
	s5 =	sadd.s32 s5, s7  }
0xd: {  	s6 =	smax.u32 s6, $0x1;
	s7 =	simm.s32 $0x2;
	s9 =	simm.s32 $0x400  }
.LBB2_1:
0xe: {  	[tilespmem:s2], [sflag:$0x2] =	stream.linear.gather [hbm4b:s4+s2], $0x400, $0x38;
	[tilespmem:$0x800] =	vst v63  }
0xf: {  	_ =	swait.ge [sflag:s7], $0x400  }
0x10: {  	[sflag:s7] =	ssyncset.done $0x0  }
0x11: {  	[sflag:s7] =	ssyncadd.s32 $0xFFFFFC00  }
0x12: {  	v0 =	vld [tilespmem:$0x80]  }
0x13: {  	v1 =	vld [tilespmem:$0x90]  }
0x14: {  	v2 =	vld [tilespmem:$0x0]  }
0x15: {  	v3 =	vld [tilespmem:$0x10]  }
0x16: {  	v4 =	vld [tilespmem:$0xA0]  }
0x17: {  	v6 =	vld [tilespmem:$0xB0]  }
0x18: {  	v8 =	vld [tilespmem:$0x20]  }
0x19: {  	v9 =	vld [tilespmem:$0x30]  }
0x1a: {  	v49 =	vld [tilespmem:$0xC0]  }
0x1b: {  	v52 =	vld [tilespmem:$0xD0]  }
0x1c: {  	v11 =	vld [tilespmem:$0x40]  }
0x1d: {  	v55 =	vld [tilespmem:$0x50]  }
0x1e: {  	v58 =	vld [tilespmem:$0xE0];
	v5 =	vshrl.u32 v0, $0x7;
	v7 =	vshrl.u32 v1, $0x7;
	v2 =	vshll.u32 v2, $0x7  }
0x1f: {  	v61 =	vld [tilespmem:$0xF0];
	v0 =	vand.u32 $0x7F, v0;
	v3 =	vshll.u32 v3, $0x7;
	v51 =	vshrl.u32 v4, $0x7  }
0x20: {  	v16 =	vld [tilespmem:$0x70];
	v1 =	vand.u32 $0x7F, v1;
	v10 =	vshrl.u32 v6, $0x7;
	v53 =	vshll.u32 v8, $0x7  }
0x21: {  	v56 =	vand.u32 $0x7F, v4;
	v57 =	vshll.u32 v9, $0x7;
	v60 =	vshrl.u32 v49, $0x7  }
0x22: {  	v6 =	vand.u32 $0x7F, v6;
	v12 =	vshrl.u32 v52, $0x7;
	v62 =	vshll.u32 v11, $0x7  }
0x23: {  	v18 =	vand.u32 $0x7F, v49;
	v19 =	vshll.u32 v55, $0x7;
	v21 =	vshrl.u32 v58, $0x7  }
0x24: {  	v22 =	vand.u32 $0x7F, v52;
	v23 =	vshrl.u32 v61, $0x7;
	v5 =	vmul.u32 $0x1F400, v5  }
0x25: {  	v28 =	vshll.u32 v16, $0x7;
	v30 =	vand.u32 $0x7F, v61;
	v7 =	vmul.u32 $0x1F400, v7  }
0x26: {  	v54 =	vmul.u32 $0x1F400, v10;
	v25 =	vmul.u32 $0x1F400, v23;
	v2 =	vadd.s32 v2, v5  }
0x27: {  	v13 =	vld [tilespmem:$0x60];
	v4 =	vmul.u32 $0x1F400, v60;
	v50 =	vadd.s32 v3, v7;
	v0 =	vor.u32 v0, v2  }
0x28: {  	v3 =	vmul.u32 $0x1F400, v51;
	v29 =	vadd.s32 v28, v25;
	v1 =	vor.u32 v1, v50;
	[tilespmem:$0x400] =	vst v0  }
0x29: {  	v63 =	vmul.u32 $0x1F400, v12;
	v59 =	vadd.s32 v57, v54;
	v31 =	vor.u32 v30, v29;
	[tilespmem:$0x410] =	vst v1  }
0x2a: {  	v17 =	vadd.s32 v62, v4;
	v2 =	vadd.s32 v53, v3;
	v3 =	vor.u32 v6, v59;
	[tilespmem:$0x470] =	vst v31  }
0x2b: {  	v20 =	vadd.s32 v19, v63;
	v4 =	vmul.u32 $0x1F400, v21;
	v0 =	vor.u32 v18, v17;
	[tilespmem:$0x430] =	vst v3  }
0x2c: {  	v24 =	vshll.u32 v13, $0x7;
	v1 =	vor.u32 v22, v20;
	[tilespmem:$0x440] =	vst v0  }
0x2d: {  	v27 =	vand.u32 $0x7F, v58;
	v26 =	vadd.s32 v24, v4;
	v2 =	vor.u32 v56, v2;
	[tilespmem:$0x450] =	vst v1  }
0x2e: {  	v0 =	vor.u32 v27, v26;
	[tilespmem:$0x420] =	vst v2  }
0x2f: {  	[tilespmem:$0x460] =	vst v0  }
0x30: {  	[tilespmem:s10], [sflag:$0x1] =	stream.indirect.gather [hbm4b:s3+s8], $0x1, s9, s8, $0xb8;
	[tilespmem:$0x800] =	vst v63  }
0x31: {  	v32 =	vld [tilespmem:$0x180]  }
0x32: {  	v33 =	vld [tilespmem:$0x190]  }
0x33: {  	v34 =	vld [tilespmem:$0x100]  }
0x34: {  	v35 =	vld [tilespmem:$0x110]  }
0x35: {  	v36 =	vld [tilespmem:$0x1A0]  }
0x36: {  	v38 =	vld [tilespmem:$0x1B0]  }
0x37: {  	v40 =	vld [tilespmem:$0x120]  }
0x38: {  	v41 =	vld [tilespmem:$0x130]  }
0x39: {  	v42 =	vld [tilespmem:$0x1C0]  }
0x3a: {  	v45 =	vld [tilespmem:$0x1D0]  }
0x3b: {  	v47 =	vld [tilespmem:$0x140]  }
0x3c: {  	v50 =	vld [tilespmem:$0x150]  }
0x3d: {  	v53 =	vld [tilespmem:$0x1E0];
	v37 =	vshrl.u32 v32, $0x7;
	v39 =	vshrl.u32 v33, $0x7  }
0x3e: {  	v56 =	vld [tilespmem:$0x1F0];
	v2 =	vshll.u32 v34, $0x7;
	v0 =	vand.u32 $0x7F, v32;
	v3 =	vshll.u32 v35, $0x7  }
0x3f: {  	v61 =	vld [tilespmem:$0x170];
	v44 =	vshrl.u32 v36, $0x7;
	v1 =	vand.u32 $0x7F, v33;
	v46 =	vshrl.u32 v38, $0x7  }
0x40: {  	v48 =	vshll.u32 v40, $0x7;
	v52 =	vshll.u32 v41, $0x7;
	v55 =	vshrl.u32 v42, $0x7  }
0x41: {  	v6 =	vand.u32 $0x7F, v38;
	v57 =	vshrl.u32 v45, $0x7;
	v59 =	vshll.u32 v47, $0x7  }
0x42: {  	v63 =	vand.u32 $0x7F, v42;
	v14 =	vshll.u32 v50, $0x7;
	v16 =	vshrl.u32 v53, $0x7  }
0x43: {  	v17 =	vand.u32 $0x7F, v45;
	v18 =	vshrl.u32 v56, $0x7;
	v5 =	vmul.u32 $0x1F400, v37  }
0x44: {  	v23 =	vshll.u32 v61, $0x7;
	v25 =	vand.u32 $0x7F, v56;
	v7 =	vmul.u32 $0x1F400, v39  }
0x45: {  	v49 =	vmul.u32 $0x1F400, v46;
	v20 =	vmul.u32 $0x1F400, v18;
	v2 =	vadd.s32 v2, v5  }
0x46: {  	v58 =	vld [tilespmem:$0x160];
	v4 =	vmul.u32 $0x1F400, v55;
	v43 =	vadd.s32 v3, v7;
	v0 =	vor.u32 v0, v2  }
0x47: {  	v3 =	vmul.u32 $0x1F400, v44;
	v24 =	vadd.s32 v23, v20;
	v1 =	vor.u32 v1, v43;
	[tilespmem:$0x480] =	vst v0  }
0x48: {  	v60 =	vmul.u32 $0x1F400, v57;
	v54 =	vadd.s32 v52, v49;
	v26 =	vor.u32 v25, v24;
	[tilespmem:$0x490] =	vst v1  }
0x49: {  	v62 =	vadd.s32 v59, v4;
	v2 =	vadd.s32 v48, v3;
	v3 =	vor.u32 v6, v54;
	[tilespmem:$0x4F0] =	vst v26  }
0x4a: {  	v15 =	vadd.s32 v14, v60;
	v4 =	vmul.u32 $0x1F400, v16;
	v0 =	vor.u32 v63, v62;
	[tilespmem:$0x4B0] =	vst v3  }
0x4b: {  	v51 =	vand.u32 $0x7F, v36;
	v19 =	vshll.u32 v58, $0x7;
	v1 =	vor.u32 v17, v15;
	[tilespmem:$0x4C0] =	vst v0  }
0x4c: {  	v22 =	vand.u32 $0x7F, v53;
	v21 =	vadd.s32 v19, v4;
	v2 =	vor.u32 v51, v2;
	[tilespmem:$0x4D0] =	vst v1  }
0x4d: {  	v0 =	vor.u32 v22, v21;
	[tilespmem:$0x4A0] =	vst v2  }
0x4e: {  	[tilespmem:$0x4E0] =	vst v0  }
0x4f: {  	[tilespmem:s12], [sflag:$0x1] =	stream.indirect.gather [hbm4b:s3+s8], $0x1, s11, s8, $0xb8;
	[tilespmem:$0x800] =	vst v63  }
0x50: {  	v27 =	vld [tilespmem:$0x280]  }
0x51: {  	v28 =	vld [tilespmem:$0x290]  }
0x52: {  	v29 =	vld [tilespmem:$0x200]  }
0x53: {  	v30 =	vld [tilespmem:$0x210]  }
0x54: {  	v31 =	vld [tilespmem:$0x2A0]  }
0x55: {  	v33 =	vld [tilespmem:$0x2B0]  }
0x56: {  	v35 =	vld [tilespmem:$0x220]  }
0x57: {  	v36 =	vld [tilespmem:$0x230]  }
0x58: {  	v37 =	vld [tilespmem:$0x2C0]  }
0x59: {  	v40 =	vld [tilespmem:$0x2D0]  }
0x5a: {  	v42 =	vld [tilespmem:$0x240]  }
0x5b: {  	v45 =	vld [tilespmem:$0x250]  }
0x5c: {  	v48 =	vld [tilespmem:$0x2E0];
	v32 =	vshrl.u32 v27, $0x7;
	v34 =	vshrl.u32 v28, $0x7  }
0x5d: {  	v51 =	vld [tilespmem:$0x2F0];
	v2 =	vshll.u32 v29, $0x7;
	v0 =	vand.u32 $0x7F, v27;
	v3 =	vshll.u32 v30, $0x7  }
0x5e: {  	v56 =	vld [tilespmem:$0x270];
	v39 =	vshrl.u32 v31, $0x7;
	v1 =	vand.u32 $0x7F, v28;
	v41 =	vshrl.u32 v33, $0x7  }
0x5f: {  	v43 =	vshll.u32 v35, $0x7;
	v47 =	vshll.u32 v36, $0x7;
	v50 =	vshrl.u32 v37, $0x7  }
0x60: {  	v6 =	vand.u32 $0x7F, v33;
	v52 =	vshrl.u32 v40, $0x7;
	v54 =	vshll.u32 v42, $0x7  }
0x61: {  	v58 =	vand.u32 $0x7F, v37;
	v59 =	vshll.u32 v45, $0x7;
	v61 =	vshrl.u32 v48, $0x7  }
0x62: {  	v62 =	vand.u32 $0x7F, v40;
	v63 =	vshrl.u32 v51, $0x7;
	v5 =	vmul.u32 $0x1F400, v32  }
0x63: {  	v15 =	vshll.u32 v56, $0x7;
	v17 =	vand.u32 $0x7F, v51;
	v7 =	vmul.u32 $0x1F400, v34  }
0x64: {  	v44 =	vmul.u32 $0x1F400, v41;
	v11 =	vmul.u32 $0x1F400, v63;
	v2 =	vadd.s32 v2, v5  }
0x65: {  	v53 =	vld [tilespmem:$0x260];
	v4 =	vmul.u32 $0x1F400, v50;
	v38 =	vadd.s32 v3, v7;
	v0 =	vor.u32 v0, v2  }
0x66: {  	v3 =	vmul.u32 $0x1F400, v39;
	v16 =	vadd.s32 v15, v11;
	v1 =	vor.u32 v1, v38;
	[tilespmem:$0x500] =	vst v0  }
0x67: {  	v55 =	vmul.u32 $0x1F400, v52;
	v49 =	vadd.s32 v47, v44;
	v18 =	vor.u32 v17, v16;
	[tilespmem:$0x510] =	vst v1  }
0x68: {  	v57 =	vadd.s32 v54, v4;
	v2 =	vadd.s32 v43, v3;
	v3 =	vor.u32 v6, v49;
	[tilespmem:$0x570] =	vst v18  }
0x69: {  	v60 =	vadd.s32 v59, v55;
	v4 =	vmul.u32 $0x1F400, v61;
	v0 =	vor.u32 v58, v57;
	[tilespmem:$0x530] =	vst v3  }
0x6a: {  	v46 =	vand.u32 $0x7F, v31;
	v10 =	vshll.u32 v53, $0x7;
	v1 =	vor.u32 v62, v60;
	[tilespmem:$0x540] =	vst v0  }
0x6b: {  	v14 =	vand.u32 $0x7F, v48;
	v13 =	vadd.s32 v10, v4;
	v2 =	vor.u32 v46, v2;
	[tilespmem:$0x550] =	vst v1  }
0x6c: {  	v0 =	vor.u32 v14, v13;
	[tilespmem:$0x520] =	vst v2  }
0x6d: {  	[tilespmem:$0x560] =	vst v0  }
0x6e: {  	[tilespmem:s14], [sflag:$0x1] =	stream.indirect.gather [hbm4b:s3+s8], $0x1, s13, s8, $0xb8;
	[tilespmem:$0x800] =	vst v63  }
0x6f: {  	v19 =	vld [tilespmem:$0x380]  }
0x70: {  	v20 =	vld [tilespmem:$0x390]  }
0x71: {  	v21 =	vld [tilespmem:$0x300]  }
0x72: {  	v22 =	vld [tilespmem:$0x310]  }
0x73: {  	v23 =	vld [tilespmem:$0x3A0]  }
0x74: {  	v25 =	vld [tilespmem:$0x3B0]  }
0x75: {  	v27 =	vld [tilespmem:$0x320]  }
0x76: {  	v28 =	vld [tilespmem:$0x330]  }
0x77: {  	v29 =	vld [tilespmem:$0x3C0]  }
0x78: {  	v32 =	vld [tilespmem:$0x3D0]  }
0x79: {  	v34 =	vld [tilespmem:$0x340]  }
0x7a: {  	v37 =	vld [tilespmem:$0x350]  }
0x7b: {  	v40 =	vld [tilespmem:$0x3E0];
	v24 =	vshrl.u32 v19, $0x7;
	v26 =	vshrl.u32 v20, $0x7  }
0x7c: {  	v43 =	vld [tilespmem:$0x3F0];
	v2 =	vshll.u32 v21, $0x7;
	v0 =	vand.u32 $0x7F, v19;
	v3 =	vshll.u32 v22, $0x7  }
0x7d: {  	v48 =	vld [tilespmem:$0x370];
	v31 =	vshrl.u32 v23, $0x7;
	v1 =	vand.u32 $0x7F, v20;
	v33 =	vshrl.u32 v25, $0x7  }
0x7e: {  	v35 =	vshll.u32 v27, $0x7;
	v39 =	vshll.u32 v28, $0x7;
	v42 =	vshrl.u32 v29, $0x7  }
0x7f: {  	v6 =	vand.u32 $0x7F, v25;
	v44 =	vshrl.u32 v32, $0x7;
	v46 =	vshll.u32 v34, $0x7  }
0x80: {  	v50 =	vand.u32 $0x7F, v29;
	v51 =	vshll.u32 v37, $0x7;
	v53 =	vshrl.u32 v40, $0x7  }
0x81: {  	v54 =	vand.u32 $0x7F, v32;
	v55 =	vshrl.u32 v43, $0x7;
	v5 =	vmul.u32 $0x1F400, v24  }
0x82: {  	v60 =	vshll.u32 v48, $0x7;
	v62 =	vand.u32 $0x7F, v43;
	v7 =	vmul.u32 $0x1F400, v26  }
0x83: {  	v36 =	vmul.u32 $0x1F400, v33;
	v57 =	vmul.u32 $0x1F400, v55;
	v2 =	vadd.s32 v2, v5  }
0x84: {  	v45 =	vld [tilespmem:$0x360];
	v4 =	vmul.u32 $0x1F400, v42;
	v30 =	vadd.s32 v3, v7;
	v0 =	vor.u32 v0, v2  }
0x85: {  	v3 =	vmul.u32 $0x1F400, v31;
	v61 =	vadd.s32 v60, v57;
	v1 =	vor.u32 v1, v30;
	[tilespmem:$0x580] =	vst v0  }
0x86: {  	v47 =	vmul.u32 $0x1F400, v44;
	v41 =	vadd.s32 v39, v36;
	v63 =	vor.u32 v62, v61;
	[tilespmem:$0x590] =	vst v1  }
0x87: {  	v49 =	vadd.s32 v46, v4;
	v2 =	vadd.s32 v35, v3;
	v3 =	vor.u32 v6, v41;
	[tilespmem:$0x5F0] =	vst v63  }
0x88: {  	v52 =	vadd.s32 v51, v47;
	v4 =	vmul.u32 $0x1F400, v53;
	v0 =	vor.u32 v50, v49;
	[tilespmem:$0x5B0] =	vst v3  }
0x89: {  	v38 =	vand.u32 $0x7F, v23;
	v56 =	vshll.u32 v45, $0x7;
	v1 =	vor.u32 v54, v52;
	[tilespmem:$0x5C0] =	vst v0  }
0x8a: {  	v59 =	vand.u32 $0x7F, v40;
	v58 =	vadd.s32 v56, v4;
	v2 =	vor.u32 v38, v2;
	[tilespmem:$0x5D0] =	vst v1  }
0x8b: {  	v0 =	vor.u32 v59, v58;
	[tilespmem:$0x5A0] =	vst v2  }
0x8c: {  	[tilespmem:$0x5E0] =	vst v0  }
0x8d: {  	[tilespmem:s16], [sflag:$0x1] =	stream.indirect.gather [hbm4b:s3+s8], $0x1, s15, s8, $0xb8;
	[tilespmem:$0x800] =	vst v63  }
0x8e: {  	_ =	swait.ge [sflag:s17], $0x80  }
0x8f: {  	[sflag:s17] =	ssyncset.done $0x0  }
0x90: {  	[sflag:s17] =	ssyncadd.s32 $0xFFFFFF80  }
0x91: {  	_ =	swait.ge [sflag:s17], $0x80  }
0x92: {  	[sflag:s17] =	ssyncset.done $0x0  }
0x93: {  	[sflag:s17] =	ssyncadd.s32 $0xFFFFFF80  }
0x94: {  	_ =	swait.ge [sflag:s17], $0x80  }
0x95: {  	[sflag:s17] =	ssyncset.done $0x0  }
0x96: {  	[sflag:s17] =	ssyncadd.s32 $0xFFFFFF80  }
0x97: {  	_ =	swait.ge [sflag:s17], $0x80  }
0x98: {  	p0 =	sne.s32 s6, $0x1;
	[sflag:s17] =	ssyncset.done $0x0  }
.Ltmp0:
0x99: {  	[sflag:s17] =	ssyncadd.s32 $0xFFFFFF80;
	(pc) =	sbr.rel @p0 .LBB2_1-.Ltmp0, $4  }
0x9a: {  	[hbm4b:s5+s2] =	stream.linear.scatter [tilespmem:s10], [sflag:$0x2], $0x200, $0x38;
	[tilespmem:$0x800] =	vst v63  }
0x9b: {  	_ =	swait.ge [sflag:s7], $0x200  }
0x9c: {  	[sflag:s7] =	ssyncset.done $0x0  }
0x9d: {  	s6 =	sadd.s32 $0xFFFFFFFF, s6;
	[sflag:s7] =	ssyncadd.s32 $0xFFFFFE00  }
0x9e: {  	_ =	sfence.sel $0x180000  }
0x9f: {  	[bflag:$0x0] =	sbarrier.arrive $0xFFFF  }
0xa0: {  	p0 =	sne.s32 s1, $0x0;
	_ =	strace $0x90000047  }
0xa1: {  	s0 =	sadd.s32 @!p0 $0x100000, s0;
	[bflag:$0x2] =	sbarrier.arrive $0xFFFF  }
0xa2: {  	[sflag:s0] =	ssyncadd.tile.s32 @!p0 $0x1;
	_ =	shalt  }
.Lfunc_end2:
_tile_overlayer_lowered:
.L_overlay_start_2:
0xa3: {  	(tag) =	ssettag $0x2  }
0xa4: {  	s0 =	rddreg [dreg:$0x0];
	s2 =	stileid.u32  }
0xa5: {  	s1 =	rddreg [dreg:$0x1];
	p0 =	sne.s32 s2, $0x0  }
0xa6: {  	s3 =	rddreg [dreg:$0x2];
	[bflag:$0x3] =	sbarrier.arrive $0xFFFF;
	s2 =	simm.s32 @!p0 $0x1C02  }
0xa7: {  	[timem:s3], [sflag:s2] =	dma.local @!p0 [hbm:s0], s1  }
0xa8: {  	s0 =	simm.s32 @!p0 $0x2  }
0xa9: {  	_ =	swait.ge @!p0 [sflag:s0], s1  }
0xaa: {  	s1 =	ssub.s32 @!p0 $0x0, s1;
	[sflag:s0] =	ssyncset.done @!p0 $0x0  }
0xab: {  	[sflag:s0] =	ssyncadd.s32 @!p0 s1  }
0xac: {  	[bflag:$0x3] =	sbarrier.arrive $0xFFFF  }
0xad: {  	_ =	shalt  }

</sc_bundles>
